<compile_context>
chip_gen: v7x
topology: tpu7x:2x2x1
jax: 0.10.2.dev20260603
libtpu: 0.0.44.dev20260713+nightly
codegen_flags: <defaults>
</compile_context>

<pallas_src>
import jax
import jax.numpy as jnp
from jax import lax
from jax.experimental import pallas as pl
from jax.experimental.pallas import tpu as pltpu
from jax.experimental.pallas import tpu_sc as plsc

_B, _H, _W, _C = 4, 384, 384, 96
_HW = _H * _W
_NW = 32
_PPT = _HW // _NW
_CH = 32
_NCHUNK = _PPT // _CH
_NL = 16


def _warp_body(img_hbm, trf_hbm, out_hbm, tx_v, ty_v,
               idx_v, w_v, g_v, o_v, gsem, osem):
    wid = lax.axis_index("s") * 2 + lax.axis_index("c")
    base = wid * _PPT

    pltpu.sync_copy(trf_hbm.at[0, pl.ds(base, _PPT)], tx_v)
    pltpu.sync_copy(trf_hbm.at[1, pl.ds(base, _PPT)], ty_v)

    fone = jnp.float32(1.0)

    def compute_idx(gg, slot):
        off = gg * _CH
        for h in range(_CH // _NL):
            s16 = off + h * _NL
            p = base + s16 + lax.iota(jnp.int32, _NL)
            i = lax.div(p, _W)
            j = p - i * _W

            tx = tx_v[pl.ds(s16, _NL)]
            ty = ty_v[pl.ds(s16, _NL)]

            locx = jnp.clip(i.astype(jnp.float32) + tx, 0.0, float(_H - 1))
            x0 = jnp.minimum(locx.astype(jnp.int32), _H - 2)
            fx = locx - x0.astype(jnp.float32)

            locy = jnp.clip(j.astype(jnp.float32) + ty, 0.0, float(_W - 1))
            y0 = jnp.minimum(locy.astype(jnp.int32), _W - 2)
            fy = locy - y0.astype(jnp.float32)

            i00 = x0 * _W + y0
            gx = fone - fx
            gy = fone - fy

            idx_v[slot, pl.ds(0 * _CH + h * _NL, _NL)] = i00
            idx_v[slot, pl.ds(1 * _CH + h * _NL, _NL)] = i00 + 1
            idx_v[slot, pl.ds(2 * _CH + h * _NL, _NL)] = i00 + _W
            idx_v[slot, pl.ds(3 * _CH + h * _NL, _NL)] = i00 + _W + 1
            w_v[slot, pl.ds(0 * _CH + h * _NL, _NL)] = gx * gy
            w_v[slot, pl.ds(1 * _CH + h * _NL, _NL)] = gx * fy
            w_v[slot, pl.ds(2 * _CH + h * _NL, _NL)] = fx * gy
            w_v[slot, pl.ds(3 * _CH + h * _NL, _NL)] = fx * fy

    def start_gather(slot):
        pltpu.async_copy(img_hbm.at[idx_v.at[slot]], g_v.at[slot],
                         gsem.at[slot])

    def wait_gather(slot):
        pltpu.make_async_copy(img_hbm.at[idx_v.at[slot]], g_v.at[slot],
                              gsem.at[slot]).wait()

    def blend(slot):
        def px_body(pp, c2):
            w00 = w_v[slot, pl.ds(0 * _CH + pp, _NL)][0]
            w01 = w_v[slot, pl.ds(1 * _CH + pp, _NL)][0]
            w10 = w_v[slot, pl.ds(2 * _CH + pp, _NL)][0]
            w11 = w_v[slot, pl.ds(3 * _CH + pp, _NL)][0]
            for c in range(_C // _NL):
                sl = pl.ds(c * _NL, _NL)
                o_v[slot, pp, sl] = (w00 * g_v[slot, 0 * _CH + pp, sl]
                                     + w01 * g_v[slot, 1 * _CH + pp, sl]
                                     + w10 * g_v[slot, 2 * _CH + pp, sl]
                                     + w11 * g_v[slot, 3 * _CH + pp, sl])
            return c2

        lax.fori_loop(0, _CH, px_body, 0, unroll=False)

    def start_out(slot, gg):
        pltpu.async_copy(o_v.at[slot], out_hbm.at[pl.ds(base + gg * _CH, _CH)],
                         osem.at[slot])

    def wait_out(slot, gg):
        pltpu.make_async_copy(o_v.at[slot],
                              out_hbm.at[pl.ds(base + gg * _CH, _CH)],
                              osem.at[slot]).wait()

    compute_idx(0, 0)
    start_gather(0)

    def body(g, carry):
        slot = g & 1
        nslot = 1 - slot

        @pl.when(g + 1 < _NCHUNK)
        def _():
            compute_idx(g + 1, nslot)
            start_gather(nslot)

        wait_gather(slot)

        @pl.when(g >= 2)
        def _():
            wait_out(slot, g - 2)

        blend(slot)
        start_out(slot, g)
        return carry

    lax.fori_loop(0, _NCHUNK, body, 0, unroll=False)

    wait_out((_NCHUNK - 2) & 1, _NCHUNK - 2)
    wait_out((_NCHUNK - 1) & 1, _NCHUNK - 1)


@jax.jit
def _warp_sc(img_flat, txy):
    mesh = plsc.VectorSubcoreMesh(core_axis_name="c", subcore_axis_name="s")
    return pl.kernel(
        _warp_body,
        out_type=jax.ShapeDtypeStruct((_HW, _C), jnp.float32),
        name="warp_bilinear",
        mesh=mesh,
        scratch_types=[
            pltpu.VMEM((_PPT,), jnp.float32),
            pltpu.VMEM((_PPT,), jnp.float32),
            pltpu.VMEM((2, 4 * _CH), jnp.int32),
            pltpu.VMEM((2, 4 * _CH + _NL), jnp.float32),
            pltpu.VMEM((2, 4 * _CH, _C), jnp.float32),
            pltpu.VMEM((2, _CH, _C), jnp.float32),
            pltpu.SemaphoreType.DMA((2,)),
            pltpu.SemaphoreType.DMA((2,)),
        ],
        compiler_params=pltpu.CompilerParams(use_tc_tiling_on_sc=False),
    )(img_flat, txy)


def kernel(img, trf):
    B, H, W, C = img.shape
    outs = []
    for b in range(B):
        img_b = img[b].reshape(H * W, C)
        txy_b = trf[b].reshape(H * W, 2).T
        outs.append(_warp_sc(img_b, txy_b))
    return jnp.stack(outs).reshape(B, H, W, C)

# --- scband reference (transcript-rebuilt; emitter-appended) ---
"""Pipeline reference for scband-spatial-transformer-50397146251909 (READ-ONLY COPY).

The authoritative reference and input builder live on the scoring server;
editing this copy changes nothing except your own understanding.
"""

import jax, jax.numpy as jnp
import numpy as np


def setup_inputs(seed: int = 0) -> dict:
    key = jax.random.key(seed)
    k1, k2 = jax.random.split(key)
    img = jax.random.normal(k1, (4, 384, 384, 96), dtype=jnp.float32)
    trf = jax.random.normal(k2, (4, 384, 384, 2), dtype=jnp.float32)
    return {"img": img, "trf": trf}


def _warp_single(vol, shift):
    # vol: [H, W, C], shift: [H, W, 2] dense displacement (ij indexing)
    H, W, C = vol.shape
    gx, gy = jnp.meshgrid(jnp.arange(H, dtype=shift.dtype),
                          jnp.arange(W, dtype=shift.dtype), indexing='ij')
    # absolute sample locations = grid + shift, clipped to the domain
    # (fill_value=None -> nearest-neighbor extrapolation at the border)
    locx = jnp.clip(gx + shift[..., 0], 0.0, H - 1)
    locy = jnp.clip(gy + shift[..., 1], 0.0, W - 1)
    x0f = jnp.floor(locx)
    y0f = jnp.floor(locy)
    x0 = jnp.clip(x0f, 0, H - 1).astype(jnp.int32)
    y0 = jnp.clip(y0f, 0, W - 1).astype(jnp.int32)
    x1 = jnp.clip(x0 + 1, 0, H - 1)
    y1 = jnp.clip(y0 + 1, 0, W - 1)
    wx = jnp.clip(locx - x0f, 0.0, 1.0)[..., None]
    wy = jnp.clip(locy - y0f, 0.0, 1.0)[..., None]
    vflat = vol.reshape(H * W, C)

    def gather(ix, iy):
        return jnp.take(vflat, ix * W + iy, axis=0)

    v00 = gather(x0, y0)
    v01 = gather(x0, y1)
    v10 = gather(x1, y0)
    v11 = gather(x1, y1)
    return ((1.0 - wx) * (1.0 - wy) * v00
            + (1.0 - wx) * wy * v01
            + wx * (1.0 - wy) * v10
            + wx * wy * v11)


def reference(img, trf):
    # SpatialTransformer with a dense warp, linear interpolation,
    # ij indexing, per-batch transform (single_transform=False).
    return jax.vmap(_warp_single)(img, trf)

if __name__ == "__main__":
    import jax
    _d = setup_inputs()
    print(jax.jit(kernel)(*tuple(_d.values())))

</pallas_src>

<mosaic_0001>
#map = affine_map<(d0, d1) -> (0, 0)>
module attributes {stable_mosaic.version = 14 : i64} {
  func.func @warp_bilinear(%arg0: i32, %arg1: i32, %arg2: memref<147456x96xf32, #tpu.memory_space<hbm>>, %arg3: memref<2x147456xf32, #tpu.memory_space<hbm>>, %arg4: memref<147456x96xf32, #tpu.memory_space<hbm>>, %arg5: memref<4608xf32, #tpu.memory_space<vmem>>, %arg6: memref<4608xf32, #tpu.memory_space<vmem>>, %arg7: memref<2x128xi32, #tpu.memory_space<vmem>>, %arg8: memref<2x144xf32, #tpu.memory_space<vmem>>, %arg9: memref<2x128x96xf32, #tpu.memory_space<vmem>>, %arg10: memref<2x32x96xf32, #tpu.memory_space<vmem>>, %arg11: memref<2x!tpu.dma_semaphore, #tpu.memory_space<semaphore_mem>>, %arg12: memref<2x!tpu.dma_semaphore, #tpu.memory_space<semaphore_mem>>) attributes {dimension_semantics = [#tpu.dimension_semantics<core_parallel>, #tpu.dimension_semantics<subcore_parallel>], iteration_bounds = array<i64: 2, 16>, scalar_prefetch = 0 : i64, scratch_operands = 8 : i64, tpu.core_type = #tpu.core_type<sc_vector_subcore>, window_params = [{transform_indices = #map}, {transform_indices = #map}, {transform_indices = #map}]} {
    %mul3A = arith.constant 2 : i32
    %mul3A_0 = arith.muli %arg1, %mul3A : i32
    %add3A = arith.addi %mul3A_0, %arg0 : i32
    %mul3A_1 = arith.constant 4608 : i32
    %mul3A_2 = arith.muli %add3A, %mul3A_1 : i32
    %run_scoped3A = arith.constant 0 : i32
    "tpu.region"() ({
      %run_scoped3A_290 = tpu.sem_alloc : memref<!tpu.dma_semaphore, #tpu.memory_space<semaphore_mem>>
      %dma_start3A_291 = tpu.memref_slice %arg3[%run_scoped3A, %mul3A_2] : memref<2x147456xf32, #tpu.memory_space<hbm>> -> memref<1x4608xf32, #tpu.memory_space<hbm>>
      %dma_start3A_292 = tpu.memref_squeeze %dma_start3A_291 : memref<1x4608xf32, #tpu.memory_space<hbm>> -> memref<4608xf32, #tpu.memory_space<hbm>>
      %dma_start3A_293 = tpu.memref_slice %arg3[%run_scoped3A, %mul3A_2] : memref<2x147456xf32, #tpu.memory_space<hbm>> -> memref<1x4608xf32, #tpu.memory_space<hbm>>
      %dma_start3A_294 = tpu.memref_squeeze %dma_start3A_293 : memref<1x4608xf32, #tpu.memory_space<hbm>> -> memref<4608xf32, #tpu.memory_space<hbm>>
      tpu.enqueue_dma source(%dma_start3A_294 : memref<4608xf32, #tpu.memory_space<hbm>>) target(%arg5 : memref<4608xf32, #tpu.memory_space<vmem>>) target_semaphore(%run_scoped3A_290 : memref<!tpu.dma_semaphore, #tpu.memory_space<semaphore_mem>>)
      %dma_wait3A_295 = tpu.memref_slice %arg3[%run_scoped3A, %mul3A_2] : memref<2x147456xf32, #tpu.memory_space<hbm>> -> memref<1x4608xf32, #tpu.memory_space<hbm>>
      %dma_wait3A_296 = tpu.memref_squeeze %dma_wait3A_295 : memref<1x4608xf32, #tpu.memory_space<hbm>> -> memref<4608xf32, #tpu.memory_space<hbm>>
      %dma_wait3A_297 = tpu.memref_slice %arg3[%run_scoped3A, %mul3A_2] : memref<2x147456xf32, #tpu.memory_space<hbm>> -> memref<1x4608xf32, #tpu.memory_space<hbm>>
      %dma_wait3A_298 = tpu.memref_squeeze %dma_wait3A_297 : memref<1x4608xf32, #tpu.memory_space<hbm>> -> memref<4608xf32, #tpu.memory_space<hbm>>
      tpu.wait_dma2 semaphore(%run_scoped3A_290 : memref<!tpu.dma_semaphore, #tpu.memory_space<semaphore_mem>>) src(%dma_wait3A_298 : memref<4608xf32, #tpu.memory_space<hbm>>) dst(%arg5 : memref<4608xf32, #tpu.memory_space<vmem>>)
      tpu.yield
    }) : () -> ()
    %run_scoped3A_3 = arith.constant 1 : i32
    "tpu.region"() ({
      %run_scoped3A_290 = tpu.sem_alloc : memref<!tpu.dma_semaphore, #tpu.memory_space<semaphore_mem>>
      %dma_start3A_291 = tpu.memref_slice %arg3[%run_scoped3A_3, %mul3A_2] : memref<2x147456xf32, #tpu.memory_space<hbm>> -> memref<1x4608xf32, #tpu.memory_space<hbm>>
      %dma_start3A_292 = tpu.memref_squeeze %dma_start3A_291 : memref<1x4608xf32, #tpu.memory_space<hbm>> -> memref<4608xf32, #tpu.memory_space<hbm>>
      %dma_start3A_293 = tpu.memref_slice %arg3[%run_scoped3A_3, %mul3A_2] : memref<2x147456xf32, #tpu.memory_space<hbm>> -> memref<1x4608xf32, #tpu.memory_space<hbm>>
      %dma_start3A_294 = tpu.memref_squeeze %dma_start3A_293 : memref<1x4608xf32, #tpu.memory_space<hbm>> -> memref<4608xf32, #tpu.memory_space<hbm>>
      tpu.enqueue_dma source(%dma_start3A_294 : memref<4608xf32, #tpu.memory_space<hbm>>) target(%arg6 : memref<4608xf32, #tpu.memory_space<vmem>>) target_semaphore(%run_scoped3A_290 : memref<!tpu.dma_semaphore, #tpu.memory_space<semaphore_mem>>)
      %dma_wait3A_295 = tpu.memref_slice %arg3[%run_scoped3A_3, %mul3A_2] : memref<2x147456xf32, #tpu.memory_space<hbm>> -> memref<1x4608xf32, #tpu.memory_space<hbm>>
      %dma_wait3A_296 = tpu.memref_squeeze %dma_wait3A_295 : memref<1x4608xf32, #tpu.memory_space<hbm>> -> memref<4608xf32, #tpu.memory_space<hbm>>
      %dma_wait3A_297 = tpu.memref_slice %arg3[%run_scoped3A_3, %mul3A_2] : memref<2x147456xf32, #tpu.memory_space<hbm>> -> memref<1x4608xf32, #tpu.memory_space<hbm>>
      %dma_wait3A_298 = tpu.memref_squeeze %dma_wait3A_297 : memref<1x4608xf32, #tpu.memory_space<hbm>> -> memref<4608xf32, #tpu.memory_space<hbm>>
      tpu.wait_dma2 semaphore(%run_scoped3A_290 : memref<!tpu.dma_semaphore, #tpu.memory_space<semaphore_mem>>) src(%dma_wait3A_298 : memref<4608xf32, #tpu.memory_space<hbm>>) dst(%arg6 : memref<4608xf32, #tpu.memory_space<vmem>>)
      tpu.yield
    }) : () -> ()
    %add3A_4 = arith.constant 0 : i32
    %add3A_5 = arith.addi %mul3A_2, %add3A_4 : i32
    %iota3A = tpu.iota {dimensions = array<i32: 0>} : vector<16xi32>
    %add3A_6 = vector.broadcast %add3A_5 : i32 to vector<16xi32>
    %add3A_7 = arith.addi %add3A_6, %iota3A : vector<16xi32>
    %div3A = arith.constant 384 : i32
    %div3A_8 = vector.broadcast %div3A : i32 to vector<16xi32>
    %div3A_9 = arith.divsi %add3A_7, %div3A_8 : vector<16xi32>
    %mul3A_10 = arith.constant 384 : i32
    %mul3A_11 = vector.broadcast %mul3A_10 : i32 to vector<16xi32>
    %mul3A_12 = arith.muli %div3A_9, %mul3A_11 : vector<16xi32>
    %sub3A = arith.subi %add3A_7, %mul3A_12 : vector<16xi32>
    %get3A = arith.constant 0 : index
    %get3A_13 = tpu.vector_load %arg5[%get3A] {strides = array<i32>} : memref<4608xf32, #tpu.memory_space<vmem>>, vector<16xf32>,
    %get3A_14 = vector.shape_cast %get3A_13 : vector<16xf32> to vector<16xf32>
    %get3A_15 = arith.constant 0 : index
    %get3A_16 = tpu.vector_load %arg6[%get3A_15] {strides = array<i32>} : memref<4608xf32, #tpu.memory_space<vmem>>, vector<16xf32>,
    %get3A_17 = vector.shape_cast %get3A_16 : vector<16xf32> to vector<16xf32>
    %convert_element_type3A = arith.sitofp %div3A_9 : vector<16xi32> to vector<16xf32>
    %add3A_18 = arith.addf %convert_element_type3A, %get3A_14 : vector<16xf32>
    %jit3A = arith.constant 0.000000e+00 : f32
    %jit3A_19 = arith.constant 3.830000e+02 : f32
    %max3A = vector.broadcast %jit3A : f32 to vector<16xf32>
    %max3A_20 = arith.maximumf %max3A, %add3A_18 : vector<16xf32>
    %min3A = vector.broadcast %jit3A_19 : f32 to vector<16xf32>
    %min3A_21 = arith.minimumf %min3A, %max3A_20 : vector<16xf32>
    %convert_element_type3A_22 = arith.fptosi %min3A_21 : vector<16xf32> to vector<16xi32>
    %min3A_23 = arith.constant 382 : i32
    %min3A_24 = vector.broadcast %min3A_23 : i32 to vector<16xi32>
    %min3A_25 = arith.minsi %convert_element_type3A_22, %min3A_24 : vector<16xi32>
    %convert_element_type3A_26 = arith.sitofp %min3A_25 : vector<16xi32> to vector<16xf32>
    %sub3A_27 = arith.subf %min3A_21, %convert_element_type3A_26 : vector<16xf32>
    %convert_element_type3A_28 = arith.sitofp %sub3A : vector<16xi32> to vector<16xf32>
    %add3A_29 = arith.addf %convert_element_type3A_28, %get3A_17 : vector<16xf32>
    %jit3A_30 = arith.constant 0.000000e+00 : f32
    %jit3A_31 = arith.constant 3.830000e+02 : f32
    %max3A_32 = vector.broadcast %jit3A_30 : f32 to vector<16xf32>
    %max3A_33 = arith.maximumf %max3A_32, %add3A_29 : vector<16xf32>
    %min3A_34 = vector.broadcast %jit3A_31 : f32 to vector<16xf32>
    %min3A_35 = arith.minimumf %min3A_34, %max3A_33 : vector<16xf32>
    %convert_element_type3A_36 = arith.fptosi %min3A_35 : vector<16xf32> to vector<16xi32>
    %min3A_37 = arith.constant 382 : i32
    %min3A_38 = vector.broadcast %min3A_37 : i32 to vector<16xi32>
    %min3A_39 = arith.minsi %convert_element_type3A_36, %min3A_38 : vector<16xi32>
    %convert_element_type3A_40 = arith.sitofp %min3A_39 : vector<16xi32> to vector<16xf32>
    %sub3A_41 = arith.subf %min3A_35, %convert_element_type3A_40 : vector<16xf32>
    %mul3A_42 = arith.constant 384 : i32
    %mul3A_43 = vector.broadcast %mul3A_42 : i32 to vector<16xi32>
    %mul3A_44 = arith.muli %min3A_25, %mul3A_43 : vector<16xi32>
    %add3A_45 = arith.addi %mul3A_44, %min3A_39 : vector<16xi32>
    %sub3A_46 = arith.constant 1.000000e+00 : f32
    %sub3A_47 = vector.broadcast %sub3A_46 : f32 to vector<16xf32>
    %sub3A_48 = arith.subf %sub3A_47, %sub3A_27 : vector<16xf32>
    %sub3A_49 = arith.constant 1.000000e+00 : f32
    %sub3A_50 = vector.broadcast %sub3A_49 : f32 to vector<16xf32>
    %sub3A_51 = arith.subf %sub3A_50, %sub3A_41 : vector<16xf32>
    %swap3A = arith.constant 0 : i32
    %swap3A_52 = arith.index_cast %swap3A : i32 to index
    %swap3A_53 = arith.constant 0 : index
    %swap3A_54 = tpu.vector_load %arg7[%swap3A_52, %swap3A_53] {strides = array<i32>} : memref<2x128xi32, #tpu.memory_space<vmem>>, vector<1x16xi32>,
    %swap3A_55 = vector.shape_cast %swap3A_54 : vector<1x16xi32> to vector<16xi32>
    %swap3A_56 = vector.shape_cast %add3A_45 : vector<16xi32> to vector<1x16xi32>
    tpu.vector_store %arg7[%swap3A_52, %swap3A_53], %swap3A_56 {strides = array<i32>} : memref<2x128xi32, #tpu.memory_space<vmem>>, vector<1x16xi32>,
    %add3A_57 = arith.constant 1 : i32
    %add3A_58 = vector.broadcast %add3A_57 : i32 to vector<16xi32>
    %add3A_59 = arith.addi %add3A_45, %add3A_58 : vector<16xi32>
    %swap3A_60 = arith.constant 0 : i32
    %swap3A_61 = arith.index_cast %swap3A_60 : i32 to index
    %swap3A_62 = arith.constant 32 : index
    %swap3A_63 = tpu.vector_load %arg7[%swap3A_61, %swap3A_62] {strides = array<i32>} : memref<2x128xi32, #tpu.memory_space<vmem>>, vector<1x16xi32>,
    %swap3A_64 = vector.shape_cast %swap3A_63 : vector<1x16xi32> to vector<16xi32>
    %swap3A_65 = vector.shape_cast %add3A_59 : vector<16xi32> to vector<1x16xi32>
    tpu.vector_store %arg7[%swap3A_61, %swap3A_62], %swap3A_65 {strides = array<i32>} : memref<2x128xi32, #tpu.memory_space<vmem>>, vector<1x16xi32>,
    %add3A_66 = arith.constant 384 : i32
    %add3A_67 = vector.broadcast %add3A_66 : i32 to vector<16xi32>
    %add3A_68 = arith.addi %add3A_45, %add3A_67 : vector<16xi32>
    %swap3A_69 = arith.constant 0 : i32
    %swap3A_70 = arith.index_cast %swap3A_69 : i32 to index
    %swap3A_71 = arith.constant 64 : index
    %swap3A_72 = tpu.vector_load %arg7[%swap3A_70, %swap3A_71] {strides = array<i32>} : memref<2x128xi32, #tpu.memory_space<vmem>>, vector<1x16xi32>,
    %swap3A_73 = vector.shape_cast %swap3A_72 : vector<1x16xi32> to vector<16xi32>
    %swap3A_74 = vector.shape_cast %add3A_68 : vector<16xi32> to vector<1x16xi32>
    tpu.vector_store %arg7[%swap3A_70, %swap3A_71], %swap3A_74 {strides = array<i32>} : memref<2x128xi32, #tpu.memory_space<vmem>>, vector<1x16xi32>,
    %add3A_75 = arith.constant 384 : i32
    %add3A_76 = vector.broadcast %add3A_75 : i32 to vector<16xi32>
    %add3A_77 = arith.addi %add3A_45, %add3A_76 : vector<16xi32>
    %add3A_78 = arith.constant 1 : i32
    %add3A_79 = vector.broadcast %add3A_78 : i32 to vector<16xi32>
    %add3A_80 = arith.addi %add3A_77, %add3A_79 : vector<16xi32>
    %swap3A_81 = arith.constant 0 : i32
    %swap3A_82 = arith.index_cast %swap3A_81 : i32 to index
    %swap3A_83 = arith.constant 96 : index
    %swap3A_84 = tpu.vector_load %arg7[%swap3A_82, %swap3A_83] {strides = array<i32>} : memref<2x128xi32, #tpu.memory_space<vmem>>, vector<1x16xi32>,
    %swap3A_85 = vector.shape_cast %swap3A_84 : vector<1x16xi32> to vector<16xi32>
    %swap3A_86 = vector.shape_cast %add3A_80 : vector<16xi32> to vector<1x16xi32>
    tpu.vector_store %arg7[%swap3A_82, %swap3A_83], %swap3A_86 {strides = array<i32>} : memref<2x128xi32, #tpu.memory_space<vmem>>, vector<1x16xi32>,
    %mul3A_87 = arith.mulf %sub3A_48, %sub3A_51 : vector<16xf32>
    %swap3A_88 = arith.constant 0 : i32
    %swap3A_89 = arith.index_cast %swap3A_88 : i32 to index
    %swap3A_90 = arith.constant 0 : index
    %swap3A_91 = tpu.vector_load %arg8[%swap3A_89, %swap3A_90] {strides = array<i32>} : memref<2x144xf32, #tpu.memory_space<vmem>>, vector<1x16xf32>,
    %swap3A_92 = vector.shape_cast %swap3A_91 : vector<1x16xf32> to vector<16xf32>
    %swap3A_93 = vector.shape_cast %mul3A_87 : vector<16xf32> to vector<1x16xf32>
    tpu.vector_store %arg8[%swap3A_89, %swap3A_90], %swap3A_93 {strides = array<i32>} : memref<2x144xf32, #tpu.memory_space<vmem>>, vector<1x16xf32>,
    %mul3A_94 = arith.mulf %sub3A_48, %sub3A_41 : vector<16xf32>
    %swap3A_95 = arith.constant 0 : i32
    %swap3A_96 = arith.index_cast %swap3A_95 : i32 to index
    %swap3A_97 = arith.constant 32 : index
    %swap3A_98 = tpu.vector_load %arg8[%swap3A_96, %swap3A_97] {strides = array<i32>} : memref<2x144xf32, #tpu.memory_space<vmem>>, vector<1x16xf32>,
    %swap3A_99 = vector.shape_cast %swap3A_98 : vector<1x16xf32> to vector<16xf32>
    %swap3A_100 = vector.shape_cast %mul3A_94 : vector<16xf32> to vector<1x16xf32>
    tpu.vector_store %arg8[%swap3A_96, %swap3A_97], %swap3A_100 {strides = array<i32>} : memref<2x144xf32, #tpu.memory_space<vmem>>, vector<1x16xf32>,
    %mul3A_101 = arith.mulf %sub3A_27, %sub3A_51 : vector<16xf32>
    %swap3A_102 = arith.constant 0 : i32
    %swap3A_103 = arith.index_cast %swap3A_102 : i32 to index
    %swap3A_104 = arith.constant 64 : index
    %swap3A_105 = tpu.vector_load %arg8[%swap3A_103, %swap3A_104] {strides = array<i32>} : memref<2x144xf32, #tpu.memory_space<vmem>>, vector<1x16xf32>,
    %swap3A_106 = vector.shape_cast %swap3A_105 : vector<1x16xf32> to vector<16xf32>
    %swap3A_107 = vector.shape_cast %mul3A_101 : vector<16xf32> to vector<1x16xf32>
    tpu.vector_store %arg8[%swap3A_103, %swap3A_104], %swap3A_107 {strides = array<i32>} : memref<2x144xf32, #tpu.memory_space<vmem>>, vector<1x16xf32>,
    %mul3A_108 = arith.mulf %sub3A_27, %sub3A_41 : vector<16xf32>
    %swap3A_109 = arith.constant 0 : i32
    %swap3A_110 = arith.index_cast %swap3A_109 : i32 to index
    %swap3A_111 = arith.constant 96 : index
    %swap3A_112 = tpu.vector_load %arg8[%swap3A_110, %swap3A_111] {strides = array<i32>} : memref<2x144xf32, #tpu.memory_space<vmem>>, vector<1x16xf32>,
    %swap3A_113 = vector.shape_cast %swap3A_112 : vector<1x16xf32> to vector<16xf32>
    %swap3A_114 = vector.shape_cast %mul3A_108 : vector<16xf32> to vector<1x16xf32>
    tpu.vector_store %arg8[%swap3A_110, %swap3A_111], %swap3A_114 {strides = array<i32>} : memref<2x144xf32, #tpu.memory_space<vmem>>, vector<1x16xf32>,
    %add3A_115 = arith.constant 16 : i32
    %add3A_116 = arith.addi %mul3A_2, %add3A_115 : i32
    %iota3A_117 = tpu.iota {dimensions = array<i32: 0>} : vector<16xi32>
    %add3A_118 = vector.broadcast %add3A_116 : i32 to vector<16xi32>
    %add3A_119 = arith.addi %add3A_118, %iota3A_117 : vector<16xi32>
    %div3A_120 = arith.constant 384 : i32
    %div3A_121 = vector.broadcast %div3A_120 : i32 to vector<16xi32>
    %div3A_122 = arith.divsi %add3A_119, %div3A_121 : vector<16xi32>
    %mul3A_123 = arith.constant 384 : i32
    %mul3A_124 = vector.broadcast %mul3A_123 : i32 to vector<16xi32>
    %mul3A_125 = arith.muli %div3A_122, %mul3A_124 : vector<16xi32>
    %sub3A_126 = arith.subi %add3A_119, %mul3A_125 : vector<16xi32>
    %get3A_127 = arith.constant 16 : index
    %get3A_128 = tpu.vector_load %arg5[%get3A_127] {strides = array<i32>} : memref<4608xf32, #tpu.memory_space<vmem>>, vector<16xf32>,
    %get3A_129 = vector.shape_cast %get3A_128 : vector<16xf32> to vector<16xf32>
    %get3A_130 = arith.constant 16 : index
    %get3A_131 = tpu.vector_load %arg6[%get3A_130] {strides = array<i32>} : memref<4608xf32, #tpu.memory_space<vmem>>, vector<16xf32>,
    %get3A_132 = vector.shape_cast %get3A_131 : vector<16xf32> to vector<16xf32>
    %convert_element_type3A_133 = arith.sitofp %div3A_122 : vector<16xi32> to vector<16xf32>
    %add3A_134 = arith.addf %convert_element_type3A_133, %get3A_129 : vector<16xf32>
    %jit3A_135 = arith.constant 0.000000e+00 : f32
    %jit3A_136 = arith.constant 3.830000e+02 : f32
    %max3A_137 = vector.broadcast %jit3A_135 : f32 to vector<16xf32>
    %max3A_138 = arith.maximumf %max3A_137, %add3A_134 : vector<16xf32>
    %min3A_139 = vector.broadcast %jit3A_136 : f32 to vector<16xf32>
    %min3A_140 = arith.minimumf %min3A_139, %max3A_138 : vector<16xf32>
    %convert_element_type3A_141 = arith.fptosi %min3A_140 : vector<16xf32> to vector<16xi32>
    %min3A_142 = arith.constant 382 : i32
    %min3A_143 = vector.broadcast %min3A_142 : i32 to vector<16xi32>
    %min3A_144 = arith.minsi %convert_element_type3A_141, %min3A_143 : vector<16xi32>
    %convert_element_type3A_145 = arith.sitofp %min3A_144 : vector<16xi32> to vector<16xf32>
    %sub3A_146 = arith.subf %min3A_140, %convert_element_type3A_145 : vector<16xf32>
    %convert_element_type3A_147 = arith.sitofp %sub3A_126 : vector<16xi32> to vector<16xf32>
    %add3A_148 = arith.addf %convert_element_type3A_147, %get3A_132 : vector<16xf32>
    %jit3A_149 = arith.constant 0.000000e+00 : f32
    %jit3A_150 = arith.constant 3.830000e+02 : f32
    %max3A_151 = vector.broadcast %jit3A_149 : f32 to vector<16xf32>
    %max3A_152 = arith.maximumf %max3A_151, %add3A_148 : vector<16xf32>
    %min3A_153 = vector.broadcast %jit3A_150 : f32 to vector<16xf32>
    %min3A_154 = arith.minimumf %min3A_153, %max3A_152 : vector<16xf32>
    %convert_element_type3A_155 = arith.fptosi %min3A_154 : vector<16xf32> to vector<16xi32>
    %min3A_156 = arith.constant 382 : i32
    %min3A_157 = vector.broadcast %min3A_156 : i32 to vector<16xi32>
    %min3A_158 = arith.minsi %convert_element_type3A_155, %min3A_157 : vector<16xi32>
    %convert_element_type3A_159 = arith.sitofp %min3A_158 : vector<16xi32> to vector<16xf32>
    %sub3A_160 = arith.subf %min3A_154, %convert_element_type3A_159 : vector<16xf32>
    %mul3A_161 = arith.constant 384 : i32
    %mul3A_162 = vector.broadcast %mul3A_161 : i32 to vector<16xi32>
    %mul3A_163 = arith.muli %min3A_144, %mul3A_162 : vector<16xi32>
    %add3A_164 = arith.addi %mul3A_163, %min3A_158 : vector<16xi32>
    %sub3A_165 = arith.constant 1.000000e+00 : f32
    %sub3A_166 = vector.broadcast %sub3A_165 : f32 to vector<16xf32>
    %sub3A_167 = arith.subf %sub3A_166, %sub3A_146 : vector<16xf32>
    %sub3A_168 = arith.constant 1.000000e+00 : f32
    %sub3A_169 = vector.broadcast %sub3A_168 : f32 to vector<16xf32>
    %sub3A_170 = arith.subf %sub3A_169, %sub3A_160 : vector<16xf32>
    %swap3A_171 = arith.constant 0 : i32
    %swap3A_172 = arith.index_cast %swap3A_171 : i32 to index
    %swap3A_173 = arith.constant 16 : index
    %swap3A_174 = tpu.vector_load %arg7[%swap3A_172, %swap3A_173] {strides = array<i32>} : memref<2x128xi32, #tpu.memory_space<vmem>>, vector<1x16xi32>,
    %swap3A_175 = vector.shape_cast %swap3A_174 : vector<1x16xi32> to vector<16xi32>
    %swap3A_176 = vector.shape_cast %add3A_164 : vector<16xi32> to vector<1x16xi32>
    tpu.vector_store %arg7[%swap3A_172, %swap3A_173], %swap3A_176 {strides = array<i32>} : memref<2x128xi32, #tpu.memory_space<vmem>>, vector<1x16xi32>,
    %add3A_177 = arith.constant 1 : i32
    %add3A_178 = vector.broadcast %add3A_177 : i32 to vector<16xi32>
    %add3A_179 = arith.addi %add3A_164, %add3A_178 : vector<16xi32>
    %swap3A_180 = arith.constant 0 : i32
    %swap3A_181 = arith.index_cast %swap3A_180 : i32 to index
    %swap3A_182 = arith.constant 48 : index
    %swap3A_183 = tpu.vector_load %arg7[%swap3A_181, %swap3A_182] {strides = array<i32>} : memref<2x128xi32, #tpu.memory_space<vmem>>, vector<1x16xi32>,
    %swap3A_184 = vector.shape_cast %swap3A_183 : vector<1x16xi32> to vector<16xi32>
    %swap3A_185 = vector.shape_cast %add3A_179 : vector<16xi32> to vector<1x16xi32>
    tpu.vector_store %arg7[%swap3A_181, %swap3A_182], %swap3A_185 {strides = array<i32>} : memref<2x128xi32, #tpu.memory_space<vmem>>, vector<1x16xi32>,
    %add3A_186 = arith.constant 384 : i32
    %add3A_187 = vector.broadcast %add3A_186 : i32 to vector<16xi32>
    %add3A_188 = arith.addi %add3A_164, %add3A_187 : vector<16xi32>
    %swap3A_189 = arith.constant 0 : i32
    %swap3A_190 = arith.index_cast %swap3A_189 : i32 to index
    %swap3A_191 = arith.constant 80 : index
    %swap3A_192 = tpu.vector_load %arg7[%swap3A_190, %swap3A_191] {strides = array<i32>} : memref<2x128xi32, #tpu.memory_space<vmem>>, vector<1x16xi32>,
    %swap3A_193 = vector.shape_cast %swap3A_192 : vector<1x16xi32> to vector<16xi32>
    %swap3A_194 = vector.shape_cast %add3A_188 : vector<16xi32> to vector<1x16xi32>
    tpu.vector_store %arg7[%swap3A_190, %swap3A_191], %swap3A_194 {strides = array<i32>} : memref<2x128xi32, #tpu.memory_space<vmem>>, vector<1x16xi32>,
    %add3A_195 = arith.constant 384 : i32
    %add3A_196 = vector.broadcast %add3A_195 : i32 to vector<16xi32>
    %add3A_197 = arith.addi %add3A_164, %add3A_196 : vector<16xi32>
    %add3A_198 = arith.constant 1 : i32
    %add3A_199 = vector.broadcast %add3A_198 : i32 to vector<16xi32>
    %add3A_200 = arith.addi %add3A_197, %add3A_199 : vector<16xi32>
    %swap3A_201 = arith.constant 0 : i32
    %swap3A_202 = arith.index_cast %swap3A_201 : i32 to index
    %swap3A_203 = arith.constant 112 : index
    %swap3A_204 = tpu.vector_load %arg7[%swap3A_202, %swap3A_203] {strides = array<i32>} : memref<2x128xi32, #tpu.memory_space<vmem>>, vector<1x16xi32>,
    %swap3A_205 = vector.shape_cast %swap3A_204 : vector<1x16xi32> to vector<16xi32>
    %swap3A_206 = vector.shape_cast %add3A_200 : vector<16xi32> to vector<1x16xi32>
    tpu.vector_store %arg7[%swap3A_202, %swap3A_203], %swap3A_206 {strides = array<i32>} : memref<2x128xi32, #tpu.memory_space<vmem>>, vector<1x16xi32>,
    %mul3A_207 = arith.mulf %sub3A_167, %sub3A_170 : vector<16xf32>
    %swap3A_208 = arith.constant 0 : i32
    %swap3A_209 = arith.index_cast %swap3A_208 : i32 to index
    %swap3A_210 = arith.constant 16 : index
    %swap3A_211 = tpu.vector_load %arg8[%swap3A_209, %swap3A_210] {strides = array<i32>} : memref<2x144xf32, #tpu.memory_space<vmem>>, vector<1x16xf32>,
    %swap3A_212 = vector.shape_cast %swap3A_211 : vector<1x16xf32> to vector<16xf32>
    %swap3A_213 = vector.shape_cast %mul3A_207 : vector<16xf32> to vector<1x16xf32>
    tpu.vector_store %arg8[%swap3A_209, %swap3A_210], %swap3A_213 {strides = array<i32>} : memref<2x144xf32, #tpu.memory_space<vmem>>, vector<1x16xf32>,
    %mul3A_214 = arith.mulf %sub3A_167, %sub3A_160 : vector<16xf32>
    %swap3A_215 = arith.constant 0 : i32
    %swap3A_216 = arith.index_cast %swap3A_215 : i32 to index
    %swap3A_217 = arith.constant 48 : index
    %swap3A_218 = tpu.vector_load %arg8[%swap3A_216, %swap3A_217] {strides = array<i32>} : memref<2x144xf32, #tpu.memory_space<vmem>>, vector<1x16xf32>,
    %swap3A_219 = vector.shape_cast %swap3A_218 : vector<1x16xf32> to vector<16xf32>
    %swap3A_220 = vector.shape_cast %mul3A_214 : vector<16xf32> to vector<1x16xf32>
    tpu.vector_store %arg8[%swap3A_216, %swap3A_217], %swap3A_220 {strides = array<i32>} : memref<2x144xf32, #tpu.memory_space<vmem>>, vector<1x16xf32>,
    %mul3A_221 = arith.mulf %sub3A_146, %sub3A_170 : vector<16xf32>
    %swap3A_222 = arith.constant 0 : i32
    %swap3A_223 = arith.index_cast %swap3A_222 : i32 to index
    %swap3A_224 = arith.constant 80 : index
    %swap3A_225 = tpu.vector_load %arg8[%swap3A_223, %swap3A_224] {strides = array<i32>} : memref<2x144xf32, #tpu.memory_space<vmem>>, vector<1x16xf32>,
    %swap3A_226 = vector.shape_cast %swap3A_225 : vector<1x16xf32> to vector<16xf32>
    %swap3A_227 = vector.shape_cast %mul3A_221 : vector<16xf32> to vector<1x16xf32>
    tpu.vector_store %arg8[%swap3A_223, %swap3A_224], %swap3A_227 {strides = array<i32>} : memref<2x144xf32, #tpu.memory_space<vmem>>, vector<1x16xf32>,
    %mul3A_228 = arith.mulf %sub3A_146, %sub3A_160 : vector<16xf32>
    %swap3A_229 = arith.constant 0 : i32
    %swap3A_230 = arith.index_cast %swap3A_229 : i32 to index
    %swap3A_231 = arith.constant 112 : index
    %swap3A_232 = tpu.vector_load %arg8[%swap3A_230, %swap3A_231] {strides = array<i32>} : memref<2x144xf32, #tpu.memory_space<vmem>>, vector<1x16xf32>,
    %swap3A_233 = vector.shape_cast %swap3A_232 : vector<1x16xf32> to vector<16xf32>
    %swap3A_234 = vector.shape_cast %mul3A_228 : vector<16xf32> to vector<1x16xf32>
    tpu.vector_store %arg8[%swap3A_230, %swap3A_231], %swap3A_234 {strides = array<i32>} : memref<2x144xf32, #tpu.memory_space<vmem>>, vector<1x16xf32>,
    %dma_start3A = arith.constant 0 : i32
    %dma_start3A_235 = arith.constant 0 : i32
    %dma_start3A_236 = arith.constant 0 : i32
    %dma_start3A_237 = arith.constant 0 : i32
    %dma_start3A_238 = arith.constant 0 : i32
    %dma_start3A_239 = tpu.memref_slice %arg9[%dma_start3A_235, %dma_start3A_237, %dma_start3A_238] : memref<2x128x96xf32, #tpu.memory_space<vmem>> -> memref<1x128x96xf32, #tpu.memory_space<vmem>>
    %dma_start3A_240 = tpu.memref_squeeze %dma_start3A_239 : memref<1x128x96xf32, #tpu.memory_space<vmem>> -> memref<128x96xf32, #tpu.memory_space<vmem>>
    %dma_start3A_241 = arith.constant 0 : i32
    %dma_start3A_242 = tpu.memref_slice %arg7[%dma_start3A, %dma_start3A_241] : memref<2x128xi32, #tpu.memory_space<vmem>> -> memref<1x128xi32, #tpu.memory_space<vmem>>
    %dma_start3A_243 = tpu.memref_squeeze %dma_start3A_242 : memref<1x128xi32, #tpu.memory_space<vmem>> -> memref<128xi32, #tpu.memory_space<vmem>>
    %dma_start3A_244 = arith.constant 0 : i32
    %dma_start3A_245 = arith.constant 0 : i32
    %dma_start3A_246 = tpu.memref_slice %arg2[%dma_start3A_244, %dma_start3A_245] : memref<147456x96xf32, #tpu.memory_space<hbm>> -> memref<147456x96xf32, #tpu.memory_space<hbm>>
    %dma_start3A_247 = tpu.memref_slice %arg11[%dma_start3A_236] : memref<2x!tpu.dma_semaphore, #tpu.memory_space<semaphore_mem>> -> memref<1x!tpu.dma_semaphore, #tpu.memory_space<semaphore_mem>>
    %dma_start3A_248 = tpu.memref_squeeze %dma_start3A_247 : memref<1x!tpu.dma_semaphore, #tpu.memory_space<semaphore_mem>> -> memref<!tpu.dma_semaphore, #tpu.memory_space<semaphore_mem>>
    tpu.enqueue_indirect_dma source(%dma_start3A_246 : memref<147456x96xf32, #tpu.memory_space<hbm>>) target(%dma_start3A_240 : memref<128x96xf32, #tpu.memory_space<vmem>>) offsets(%dma_start3A_243 : memref<128xi32, #tpu.memory_space<vmem>>) semaphore(%dma_start3A_248 : memref<!tpu.dma_semaphore, #tpu.memory_space<semaphore_mem>>)
    %scan3A = arith.constant 0 : i32
    %scan3A_249 = arith.constant 1.000000e+00 : f32
    %scan3A_250 = arith.constant 0 : i32
    %scan3A_251 = arith.constant 144 : i32
    %scan3A_252 = arith.addi %scan3A_250, %scan3A_251 : i32
    %scan3A_253 = arith.constant 1 : i32
    scf.for %scan3A_290 = %scan3A_250 to %scan3A_252 step %scan3A_253  : i32 {
      %and3A = arith.constant 1 : i32
      %and3A_291 = arith.andi %scan3A_290, %and3A : i32
      %sub3A_292 = arith.constant 1 : i32
      %sub3A_293 = arith.subi %sub3A_292, %and3A_291 : i32
      %add3A_294 = arith.constant 1 : i32
      %add3A_295 = arith.addi %scan3A_290, %add3A_294 : i32
      %lt3A = arith.constant 144 : i32
      %lt3A_296 = arith.cmpi slt, %add3A_295, %lt3A : i32
      %convert_element_type3A_297 = arith.extui %lt3A_296 : i1 to i32
      %cond3A = arith.constant 0 : i32
      %cond3A_298 = arith.cmpi ne, %convert_element_type3A_297, %cond3A : i32
      scf.if %cond3A_298 {
        %add3A_338 = arith.constant 1 : i32
        %add3A_339 = arith.addi %scan3A_290, %add3A_338 : i32
        %mul3A_340 = arith.constant 32 : i32
        %mul3A_341 = arith.muli %add3A_339, %mul3A_340 : i32
        %add3A_342 = arith.constant 0 : i32
        %add3A_343 = arith.addi %mul3A_341, %add3A_342 : i32
        %add3A_344 = arith.addi %mul3A_2, %add3A_343 : i32
        %iota3A_345 = tpu.iota {dimensions = array<i32: 0>} : vector<16xi32>
        %add3A_346 = vector.broadcast %add3A_344 : i32 to vector<16xi32>
        %add3A_347 = arith.addi %add3A_346, %iota3A_345 : vector<16xi32>
        %div3A_348 = arith.constant 384 : i32
        %div3A_349 = vector.broadcast %div3A_348 : i32 to vector<16xi32>
        %div3A_350 = arith.divsi %add3A_347, %div3A_349 : vector<16xi32>
        %mul3A_351 = arith.constant 384 : i32
        %mul3A_352 = vector.broadcast %mul3A_351 : i32 to vector<16xi32>
        %mul3A_353 = arith.muli %div3A_350, %mul3A_352 : vector<16xi32>
        %sub3A_354 = arith.subi %add3A_347, %mul3A_353 : vector<16xi32>
        %get3A_355 = arith.index_cast %add3A_343 : i32 to index
        %get3A_356 = tpu.vector_load %arg5[%get3A_355] {strides = array<i32>} : memref<4608xf32, #tpu.memory_space<vmem>>, vector<16xf32>,
        %get3A_357 = vector.shape_cast %get3A_356 : vector<16xf32> to vector<16xf32>
        %get3A_358 = arith.index_cast %add3A_343 : i32 to index
        %get3A_359 = tpu.vector_load %arg6[%get3A_358] {strides = array<i32>} : memref<4608xf32, #tpu.memory_space<vmem>>, vector<16xf32>,
        %get3A_360 = vector.shape_cast %get3A_359 : vector<16xf32> to vector<16xf32>
        %convert_element_type3A_361 = arith.sitofp %div3A_350 : vector<16xi32> to vector<16xf32>
        %add3A_362 = arith.addf %convert_element_type3A_361, %get3A_357 : vector<16xf32>
        %jit3A_363 = arith.constant 0.000000e+00 : f32
        %jit3A_364 = arith.constant 3.830000e+02 : f32
        %max3A_365 = vector.broadcast %jit3A_363 : f32 to vector<16xf32>
        %max3A_366 = arith.maximumf %max3A_365, %add3A_362 : vector<16xf32>
        %min3A_367 = vector.broadcast %jit3A_364 : f32 to vector<16xf32>
        %min3A_368 = arith.minimumf %min3A_367, %max3A_366 : vector<16xf32>
        %convert_element_type3A_369 = arith.fptosi %min3A_368 : vector<16xf32> to vector<16xi32>
        %min3A_370 = arith.constant 382 : i32
        %min3A_371 = vector.broadcast %min3A_370 : i32 to vector<16xi32>
        %min3A_372 = arith.minsi %convert_element_type3A_369, %min3A_371 : vector<16xi32>
        %convert_element_type3A_373 = arith.sitofp %min3A_372 : vector<16xi32> to vector<16xf32>
        %sub3A_374 = arith.subf %min3A_368, %convert_element_type3A_373 : vector<16xf32>
        %convert_element_type3A_375 = arith.sitofp %sub3A_354 : vector<16xi32> to vector<16xf32>
        %add3A_376 = arith.addf %convert_element_type3A_375, %get3A_360 : vector<16xf32>
        %jit3A_377 = arith.constant 0.000000e+00 : f32
        %jit3A_378 = arith.constant 3.830000e+02 : f32
        %max3A_379 = vector.broadcast %jit3A_377 : f32 to vector<16xf32>
        %max3A_380 = arith.maximumf %max3A_379, %add3A_376 : vector<16xf32>
        %min3A_381 = vector.broadcast %jit3A_378 : f32 to vector<16xf32>
        %min3A_382 = arith.minimumf %min3A_381, %max3A_380 : vector<16xf32>
        %convert_element_type3A_383 = arith.fptosi %min3A_382 : vector<16xf32> to vector<16xi32>
        %min3A_384 = arith.constant 382 : i32
        %min3A_385 = vector.broadcast %min3A_384 : i32 to vector<16xi32>
        %min3A_386 = arith.minsi %convert_element_type3A_383, %min3A_385 : vector<16xi32>
        %convert_element_type3A_387 = arith.sitofp %min3A_386 : vector<16xi32> to vector<16xf32>
        %sub3A_388 = arith.subf %min3A_382, %convert_element_type3A_387 : vector<16xf32>
        %mul3A_389 = arith.constant 384 : i32
        %mul3A_390 = vector.broadcast %mul3A_389 : i32 to vector<16xi32>
        %mul3A_391 = arith.muli %min3A_372, %mul3A_390 : vector<16xi32>
        %add3A_392 = arith.addi %mul3A_391, %min3A_386 : vector<16xi32>
        %sub3A_393 = vector.broadcast %scan3A_249 : f32 to vector<16xf32>
        %sub3A_394 = arith.subf %sub3A_393, %sub3A_374 : vector<16xf32>
        %sub3A_395 = vector.broadcast %scan3A_249 : f32 to vector<16xf32>
        %sub3A_396 = arith.subf %sub3A_395, %sub3A_388 : vector<16xf32>
        %swap3A_397 = arith.index_cast %sub3A_293 : i32 to index
        %swap3A_398 = arith.constant 0 : index
        %swap3A_399 = tpu.vector_load %arg7[%swap3A_397, %swap3A_398] {strides = array<i32>} : memref<2x128xi32, #tpu.memory_space<vmem>>, vector<1x16xi32>,
        %swap3A_400 = vector.shape_cast %swap3A_399 : vector<1x16xi32> to vector<16xi32>
        %swap3A_401 = vector.shape_cast %add3A_392 : vector<16xi32> to vector<1x16xi32>
        tpu.vector_store %arg7[%swap3A_397, %swap3A_398], %swap3A_401 {strides = array<i32>} : memref<2x128xi32, #tpu.memory_space<vmem>>, vector<1x16xi32>,
        %add3A_402 = arith.constant 1 : i32
        %add3A_403 = vector.broadcast %add3A_402 : i32 to vector<16xi32>
        %add3A_404 = arith.addi %add3A_392, %add3A_403 : vector<16xi32>
        %swap3A_405 = arith.index_cast %sub3A_293 : i32 to index
        %swap3A_406 = arith.constant 32 : index
        %swap3A_407 = tpu.vector_load %arg7[%swap3A_405, %swap3A_406] {strides = array<i32>} : memref<2x128xi32, #tpu.memory_space<vmem>>, vector<1x16xi32>,
        %swap3A_408 = vector.shape_cast %swap3A_407 : vector<1x16xi32> to vector<16xi32>
        %swap3A_409 = vector.shape_cast %add3A_404 : vector<16xi32> to vector<1x16xi32>
        tpu.vector_store %arg7[%swap3A_405, %swap3A_406], %swap3A_409 {strides = array<i32>} : memref<2x128xi32, #tpu.memory_space<vmem>>, vector<1x16xi32>,
        %add3A_410 = arith.constant 384 : i32
        %add3A_411 = vector.broadcast %add3A_410 : i32 to vector<16xi32>
        %add3A_412 = arith.addi %add3A_392, %add3A_411 : vector<16xi32>
        %swap3A_413 = arith.index_cast %sub3A_293 : i32 to index
        %swap3A_414 = arith.constant 64 : index
        %swap3A_415 = tpu.vector_load %arg7[%swap3A_413, %swap3A_414] {strides = array<i32>} : memref<2x128xi32, #tpu.memory_space<vmem>>, vector<1x16xi32>,
        %swap3A_416 = vector.shape_cast %swap3A_415 : vector<1x16xi32> to vector<16xi32>
        %swap3A_417 = vector.shape_cast %add3A_412 : vector<16xi32> to vector<1x16xi32>
        tpu.vector_store %arg7[%swap3A_413, %swap3A_414], %swap3A_417 {strides = array<i32>} : memref<2x128xi32, #tpu.memory_space<vmem>>, vector<1x16xi32>,
        %add3A_418 = arith.constant 384 : i32
        %add3A_419 = vector.broadcast %add3A_418 : i32 to vector<16xi32>
        %add3A_420 = arith.addi %add3A_392, %add3A_419 : vector<16xi32>
        %add3A_421 = arith.constant 1 : i32
        %add3A_422 = vector.broadcast %add3A_421 : i32 to vector<16xi32>
        %add3A_423 = arith.addi %add3A_420, %add3A_422 : vector<16xi32>
        %swap3A_424 = arith.index_cast %sub3A_293 : i32 to index
        %swap3A_425 = arith.constant 96 : index
        %swap3A_426 = tpu.vector_load %arg7[%swap3A_424, %swap3A_425] {strides = array<i32>} : memref<2x128xi32, #tpu.memory_space<vmem>>, vector<1x16xi32>,
        %swap3A_427 = vector.shape_cast %swap3A_426 : vector<1x16xi32> to vector<16xi32>
        %swap3A_428 = vector.shape_cast %add3A_423 : vector<16xi32> to vector<1x16xi32>
        tpu.vector_store %arg7[%swap3A_424, %swap3A_425], %swap3A_428 {strides = array<i32>} : memref<2x128xi32, #tpu.memory_space<vmem>>, vector<1x16xi32>,
        %mul3A_429 = arith.mulf %sub3A_394, %sub3A_396 : vector<16xf32>
        %swap3A_430 = arith.index_cast %sub3A_293 : i32 to index
        %swap3A_431 = arith.constant 0 : index
        %swap3A_432 = tpu.vector_load %arg8[%swap3A_430, %swap3A_431] {strides = array<i32>} : memref<2x144xf32, #tpu.memory_space<vmem>>, vector<1x16xf32>,
        %swap3A_433 = vector.shape_cast %swap3A_432 : vector<1x16xf32> to vector<16xf32>
        %swap3A_434 = vector.shape_cast %mul3A_429 : vector<16xf32> to vector<1x16xf32>
        tpu.vector_store %arg8[%swap3A_430, %swap3A_431], %swap3A_434 {strides = array<i32>} : memref<2x144xf32, #tpu.memory_space<vmem>>, vector<1x16xf32>,
        %mul3A_435 = arith.mulf %sub3A_394, %sub3A_388 : vector<16xf32>
        %swap3A_436 = arith.index_cast %sub3A_293 : i32 to index
        %swap3A_437 = arith.constant 32 : index
        %swap3A_438 = tpu.vector_load %arg8[%swap3A_436, %swap3A_437] {strides = array<i32>} : memref<2x144xf32, #tpu.memory_space<vmem>>, vector<1x16xf32>,
        %swap3A_439 = vector.shape_cast %swap3A_438 : vector<1x16xf32> to vector<16xf32>
        %swap3A_440 = vector.shape_cast %mul3A_435 : vector<16xf32> to vector<1x16xf32>
        tpu.vector_store %arg8[%swap3A_436, %swap3A_437], %swap3A_440 {strides = array<i32>} : memref<2x144xf32, #tpu.memory_space<vmem>>, vector<1x16xf32>,
        %mul3A_441 = arith.mulf %sub3A_374, %sub3A_396 : vector<16xf32>
        %swap3A_442 = arith.index_cast %sub3A_293 : i32 to index
        %swap3A_443 = arith.constant 64 : index
        %swap3A_444 = tpu.vector_load %arg8[%swap3A_442, %swap3A_443] {strides = array<i32>} : memref<2x144xf32, #tpu.memory_space<vmem>>, vector<1x16xf32>,
        %swap3A_445 = vector.shape_cast %swap3A_444 : vector<1x16xf32> to vector<16xf32>
        %swap3A_446 = vector.shape_cast %mul3A_441 : vector<16xf32> to vector<1x16xf32>
        tpu.vector_store %arg8[%swap3A_442, %swap3A_443], %swap3A_446 {strides = array<i32>} : memref<2x144xf32, #tpu.memory_space<vmem>>, vector<1x16xf32>,
        %mul3A_447 = arith.mulf %sub3A_374, %sub3A_388 : vector<16xf32>
        %swap3A_448 = arith.index_cast %sub3A_293 : i32 to index
        %swap3A_449 = arith.constant 96 : index
        %swap3A_450 = tpu.vector_load %arg8[%swap3A_448, %swap3A_449] {strides = array<i32>} : memref<2x144xf32, #tpu.memory_space<vmem>>, vector<1x16xf32>,
        %swap3A_451 = vector.shape_cast %swap3A_450 : vector<1x16xf32> to vector<16xf32>
        %swap3A_452 = vector.shape_cast %mul3A_447 : vector<16xf32> to vector<1x16xf32>
        tpu.vector_store %arg8[%swap3A_448, %swap3A_449], %swap3A_452 {strides = array<i32>} : memref<2x144xf32, #tpu.memory_space<vmem>>, vector<1x16xf32>,
        %add3A_453 = arith.constant 16 : i32
        %add3A_454 = arith.addi %mul3A_341, %add3A_453 : i32
        %add3A_455 = arith.addi %mul3A_2, %add3A_454 : i32
        %iota3A_456 = tpu.iota {dimensions = array<i32: 0>} : vector<16xi32>
        %add3A_457 = vector.broadcast %add3A_455 : i32 to vector<16xi32>
        %add3A_458 = arith.addi %add3A_457, %iota3A_456 : vector<16xi32>
        %div3A_459 = arith.constant 384 : i32
        %div3A_460 = vector.broadcast %div3A_459 : i32 to vector<16xi32>
        %div3A_461 = arith.divsi %add3A_458, %div3A_460 : vector<16xi32>
        %mul3A_462 = arith.constant 384 : i32
        %mul3A_463 = vector.broadcast %mul3A_462 : i32 to vector<16xi32>
        %mul3A_464 = arith.muli %div3A_461, %mul3A_463 : vector<16xi32>
        %sub3A_465 = arith.subi %add3A_458, %mul3A_464 : vector<16xi32>
        %get3A_466 = arith.index_cast %add3A_454 : i32 to index
        %get3A_467 = tpu.vector_load %arg5[%get3A_466] {strides = array<i32>} : memref<4608xf32, #tpu.memory_space<vmem>>, vector<16xf32>,
        %get3A_468 = vector.shape_cast %get3A_467 : vector<16xf32> to vector<16xf32>
        %get3A_469 = arith.index_cast %add3A_454 : i32 to index
        %get3A_470 = tpu.vector_load %arg6[%get3A_469] {strides = array<i32>} : memref<4608xf32, #tpu.memory_space<vmem>>, vector<16xf32>,
        %get3A_471 = vector.shape_cast %get3A_470 : vector<16xf32> to vector<16xf32>
        %convert_element_type3A_472 = arith.sitofp %div3A_461 : vector<16xi32> to vector<16xf32>
        %add3A_473 = arith.addf %convert_element_type3A_472, %get3A_468 : vector<16xf32>
        %jit3A_474 = arith.constant 0.000000e+00 : f32
        %jit3A_475 = arith.constant 3.830000e+02 : f32
        %max3A_476 = vector.broadcast %jit3A_474 : f32 to vector<16xf32>
        %max3A_477 = arith.maximumf %max3A_476, %add3A_473 : vector<16xf32>
        %min3A_478 = vector.broadcast %jit3A_475 : f32 to vector<16xf32>
        %min3A_479 = arith.minimumf %min3A_478, %max3A_477 : vector<16xf32>
        %convert_element_type3A_480 = arith.fptosi %min3A_479 : vector<16xf32> to vector<16xi32>
        %min3A_481 = arith.constant 382 : i32
        %min3A_482 = vector.broadcast %min3A_481 : i32 to vector<16xi32>
        %min3A_483 = arith.minsi %convert_element_type3A_480, %min3A_482 : vector<16xi32>
        %convert_element_type3A_484 = arith.sitofp %min3A_483 : vector<16xi32> to vector<16xf32>
        %sub3A_485 = arith.subf %min3A_479, %convert_element_type3A_484 : vector<16xf32>
        %convert_element_type3A_486 = arith.sitofp %sub3A_465 : vector<16xi32> to vector<16xf32>
        %add3A_487 = arith.addf %convert_element_type3A_486, %get3A_471 : vector<16xf32>
        %jit3A_488 = arith.constant 0.000000e+00 : f32
        %jit3A_489 = arith.constant 3.830000e+02 : f32
        %max3A_490 = vector.broadcast %jit3A_488 : f32 to vector<16xf32>
        %max3A_491 = arith.maximumf %max3A_490, %add3A_487 : vector<16xf32>
        %min3A_492 = vector.broadcast %jit3A_489 : f32 to vector<16xf32>
        %min3A_493 = arith.minimumf %min3A_492, %max3A_491 : vector<16xf32>
        %convert_element_type3A_494 = arith.fptosi %min3A_493 : vector<16xf32> to vector<16xi32>
        %min3A_495 = arith.constant 382 : i32
        %min3A_496 = vector.broadcast %min3A_495 : i32 to vector<16xi32>
        %min3A_497 = arith.minsi %convert_element_type3A_494, %min3A_496 : vector<16xi32>
        %convert_element_type3A_498 = arith.sitofp %min3A_497 : vector<16xi32> to vector<16xf32>
        %sub3A_499 = arith.subf %min3A_493, %convert_element_type3A_498 : vector<16xf32>
        %mul3A_500 = arith.constant 384 : i32
        %mul3A_501 = vector.broadcast %mul3A_500 : i32 to vector<16xi32>
        %mul3A_502 = arith.muli %min3A_483, %mul3A_501 : vector<16xi32>
        %add3A_503 = arith.addi %mul3A_502, %min3A_497 : vector<16xi32>
        %sub3A_504 = vector.broadcast %scan3A_249 : f32 to vector<16xf32>
        %sub3A_505 = arith.subf %sub3A_504, %sub3A_485 : vector<16xf32>
        %sub3A_506 = vector.broadcast %scan3A_249 : f32 to vector<16xf32>
        %sub3A_507 = arith.subf %sub3A_506, %sub3A_499 : vector<16xf32>
        %swap3A_508 = arith.index_cast %sub3A_293 : i32 to index
        %swap3A_509 = arith.constant 16 : index
        %swap3A_510 = tpu.vector_load %arg7[%swap3A_508, %swap3A_509] {strides = array<i32>} : memref<2x128xi32, #tpu.memory_space<vmem>>, vector<1x16xi32>,
        %swap3A_511 = vector.shape_cast %swap3A_510 : vector<1x16xi32> to vector<16xi32>
        %swap3A_512 = vector.shape_cast %add3A_503 : vector<16xi32> to vector<1x16xi32>
        tpu.vector_store %arg7[%swap3A_508, %swap3A_509], %swap3A_512 {strides = array<i32>} : memref<2x128xi32, #tpu.memory_space<vmem>>, vector<1x16xi32>,
        %add3A_513 = arith.constant 1 : i32
        %add3A_514 = vector.broadcast %add3A_513 : i32 to vector<16xi32>
        %add3A_515 = arith.addi %add3A_503, %add3A_514 : vector<16xi32>
        %swap3A_516 = arith.index_cast %sub3A_293 : i32 to index
        %swap3A_517 = arith.constant 48 : index
        %swap3A_518 = tpu.vector_load %arg7[%swap3A_516, %swap3A_517] {strides = array<i32>} : memref<2x128xi32, #tpu.memory_space<vmem>>, vector<1x16xi32>,
        %swap3A_519 = vector.shape_cast %swap3A_518 : vector<1x16xi32> to vector<16xi32>
        %swap3A_520 = vector.shape_cast %add3A_515 : vector<16xi32> to vector<1x16xi32>
        tpu.vector_store %arg7[%swap3A_516, %swap3A_517], %swap3A_520 {strides = array<i32>} : memref<2x128xi32, #tpu.memory_space<vmem>>, vector<1x16xi32>,
        %add3A_521 = arith.constant 384 : i32
        %add3A_522 = vector.broadcast %add3A_521 : i32 to vector<16xi32>
        %add3A_523 = arith.addi %add3A_503, %add3A_522 : vector<16xi32>
        %swap3A_524 = arith.index_cast %sub3A_293 : i32 to index
        %swap3A_525 = arith.constant 80 : index
        %swap3A_526 = tpu.vector_load %arg7[%swap3A_524, %swap3A_525] {strides = array<i32>} : memref<2x128xi32, #tpu.memory_space<vmem>>, vector<1x16xi32>,
        %swap3A_527 = vector.shape_cast %swap3A_526 : vector<1x16xi32> to vector<16xi32>
        %swap3A_528 = vector.shape_cast %add3A_523 : vector<16xi32> to vector<1x16xi32>
        tpu.vector_store %arg7[%swap3A_524, %swap3A_525], %swap3A_528 {strides = array<i32>} : memref<2x128xi32, #tpu.memory_space<vmem>>, vector<1x16xi32>,
        %add3A_529 = arith.constant 384 : i32
        %add3A_530 = vector.broadcast %add3A_529 : i32 to vector<16xi32>
        %add3A_531 = arith.addi %add3A_503, %add3A_530 : vector<16xi32>
        %add3A_532 = arith.constant 1 : i32
        %add3A_533 = vector.broadcast %add3A_532 : i32 to vector<16xi32>
        %add3A_534 = arith.addi %add3A_531, %add3A_533 : vector<16xi32>
        %swap3A_535 = arith.index_cast %sub3A_293 : i32 to index
        %swap3A_536 = arith.constant 112 : index
        %swap3A_537 = tpu.vector_load %arg7[%swap3A_535, %swap3A_536] {strides = array<i32>} : memref<2x128xi32, #tpu.memory_space<vmem>>, vector<1x16xi32>,
        %swap3A_538 = vector.shape_cast %swap3A_537 : vector<1x16xi32> to vector<16xi32>
        %swap3A_539 = vector.shape_cast %add3A_534 : vector<16xi32> to vector<1x16xi32>
        tpu.vector_store %arg7[%swap3A_535, %swap3A_536], %swap3A_539 {strides = array<i32>} : memref<2x128xi32, #tpu.memory_space<vmem>>, vector<1x16xi32>,
        %mul3A_540 = arith.mulf %sub3A_505, %sub3A_507 : vector<16xf32>
        %swap3A_541 = arith.index_cast %sub3A_293 : i32 to index
        %swap3A_542 = arith.constant 16 : index
        %swap3A_543 = tpu.vector_load %arg8[%swap3A_541, %swap3A_542] {strides = array<i32>} : memref<2x144xf32, #tpu.memory_space<vmem>>, vector<1x16xf32>,
        %swap3A_544 = vector.shape_cast %swap3A_543 : vector<1x16xf32> to vector<16xf32>
        %swap3A_545 = vector.shape_cast %mul3A_540 : vector<16xf32> to vector<1x16xf32>
        tpu.vector_store %arg8[%swap3A_541, %swap3A_542], %swap3A_545 {strides = array<i32>} : memref<2x144xf32, #tpu.memory_space<vmem>>, vector<1x16xf32>,
        %mul3A_546 = arith.mulf %sub3A_505, %sub3A_499 : vector<16xf32>
        %swap3A_547 = arith.index_cast %sub3A_293 : i32 to index
        %swap3A_548 = arith.constant 48 : index
        %swap3A_549 = tpu.vector_load %arg8[%swap3A_547, %swap3A_548] {strides = array<i32>} : memref<2x144xf32, #tpu.memory_space<vmem>>, vector<1x16xf32>,
        %swap3A_550 = vector.shape_cast %swap3A_549 : vector<1x16xf32> to vector<16xf32>
        %swap3A_551 = vector.shape_cast %mul3A_546 : vector<16xf32> to vector<1x16xf32>
        tpu.vector_store %arg8[%swap3A_547, %swap3A_548], %swap3A_551 {strides = array<i32>} : memref<2x144xf32, #tpu.memory_space<vmem>>, vector<1x16xf32>,
        %mul3A_552 = arith.mulf %sub3A_485, %sub3A_507 : vector<16xf32>
        %swap3A_553 = arith.index_cast %sub3A_293 : i32 to index
        %swap3A_554 = arith.constant 80 : index
        %swap3A_555 = tpu.vector_load %arg8[%swap3A_553, %swap3A_554] {strides = array<i32>} : memref<2x144xf32, #tpu.memory_space<vmem>>, vector<1x16xf32>,
        %swap3A_556 = vector.shape_cast %swap3A_555 : vector<1x16xf32> to vector<16xf32>
        %swap3A_557 = vector.shape_cast %mul3A_552 : vector<16xf32> to vector<1x16xf32>
        tpu.vector_store %arg8[%swap3A_553, %swap3A_554], %swap3A_557 {strides = array<i32>} : memref<2x144xf32, #tpu.memory_space<vmem>>, vector<1x16xf32>,
        %mul3A_558 = arith.mulf %sub3A_485, %sub3A_499 : vector<16xf32>
        %swap3A_559 = arith.index_cast %sub3A_293 : i32 to index
        %swap3A_560 = arith.constant 112 : index
        %swap3A_561 = tpu.vector_load %arg8[%swap3A_559, %swap3A_560] {strides = array<i32>} : memref<2x144xf32, #tpu.memory_space<vmem>>, vector<1x16xf32>,
        %swap3A_562 = vector.shape_cast %swap3A_561 : vector<1x16xf32> to vector<16xf32>
        %swap3A_563 = vector.shape_cast %mul3A_558 : vector<16xf32> to vector<1x16xf32>
        tpu.vector_store %arg8[%swap3A_559, %swap3A_560], %swap3A_563 {strides = array<i32>} : memref<2x144xf32, #tpu.memory_space<vmem>>, vector<1x16xf32>,
        %dma_start3A_564 = arith.constant 0 : i32
        %dma_start3A_565 = arith.constant 0 : i32
        %dma_start3A_566 = tpu.memref_slice %arg9[%sub3A_293, %dma_start3A_564, %dma_start3A_565] : memref<2x128x96xf32, #tpu.memory_space<vmem>> -> memref<1x128x96xf32, #tpu.memory_space<vmem>>
        %dma_start3A_567 = tpu.memref_squeeze %dma_start3A_566 : memref<1x128x96xf32, #tpu.memory_space<vmem>> -> memref<128x96xf32, #tpu.memory_space<vmem>>
        %dma_start3A_568 = arith.constant 0 : i32
        %dma_start3A_569 = tpu.memref_slice %arg7[%sub3A_293, %dma_start3A_568] : memref<2x128xi32, #tpu.memory_space<vmem>> -> memref<1x128xi32, #tpu.memory_space<vmem>>
        %dma_start3A_570 = tpu.memref_squeeze %dma_start3A_569 : memref<1x128xi32, #tpu.memory_space<vmem>> -> memref<128xi32, #tpu.memory_space<vmem>>
        %dma_start3A_571 = arith.constant 0 : i32
        %dma_start3A_572 = arith.constant 0 : i32
        %dma_start3A_573 = tpu.memref_slice %arg2[%dma_start3A_571, %dma_start3A_572] : memref<147456x96xf32, #tpu.memory_space<hbm>> -> memref<147456x96xf32, #tpu.memory_space<hbm>>
        %dma_start3A_574 = tpu.memref_slice %arg11[%sub3A_293] : memref<2x!tpu.dma_semaphore, #tpu.memory_space<semaphore_mem>> -> memref<1x!tpu.dma_semaphore, #tpu.memory_space<semaphore_mem>>
        %dma_start3A_575 = tpu.memref_squeeze %dma_start3A_574 : memref<1x!tpu.dma_semaphore, #tpu.memory_space<semaphore_mem>> -> memref<!tpu.dma_semaphore, #tpu.memory_space<semaphore_mem>>
        tpu.enqueue_indirect_dma source(%dma_start3A_573 : memref<147456x96xf32, #tpu.memory_space<hbm>>) target(%dma_start3A_567 : memref<128x96xf32, #tpu.memory_space<vmem>>) offsets(%dma_start3A_570 : memref<128xi32, #tpu.memory_space<vmem>>) semaphore(%dma_start3A_575 : memref<!tpu.dma_semaphore, #tpu.memory_space<semaphore_mem>>)
      } else {
      }
      %dma_wait3A_299 = arith.constant 0 : i32
      %dma_wait3A_300 = arith.constant 0 : i32
      %dma_wait3A_301 = tpu.memref_slice %arg9[%and3A_291, %dma_wait3A_299, %dma_wait3A_300] : memref<2x128x96xf32, #tpu.memory_space<vmem>> -> memref<1x128x96xf32, #tpu.memory_space<vmem>>
      %dma_wait3A_302 = tpu.memref_squeeze %dma_wait3A_301 : memref<1x128x96xf32, #tpu.memory_space<vmem>> -> memref<128x96xf32, #tpu.memory_space<vmem>>
      %dma_wait3A_303 = arith.constant 0 : i32
      %dma_wait3A_304 = tpu.memref_slice %arg7[%and3A_291, %dma_wait3A_303] : memref<2x128xi32, #tpu.memory_space<vmem>> -> memref<1x128xi32, #tpu.memory_space<vmem>>
      %dma_wait3A_305 = tpu.memref_squeeze %dma_wait3A_304 : memref<1x128xi32, #tpu.memory_space<vmem>> -> memref<128xi32, #tpu.memory_space<vmem>>
      %dma_wait3A_306 = arith.constant 0 : i32
      %dma_wait3A_307 = arith.constant 0 : i32
      %dma_wait3A_308 = tpu.memref_slice %arg2[%dma_wait3A_306, %dma_wait3A_307] : memref<147456x96xf32, #tpu.memory_space<hbm>> -> memref<147456x96xf32, #tpu.memory_space<hbm>>
      %dma_wait3A_309 = tpu.memref_slice %arg11[%and3A_291] : memref<2x!tpu.dma_semaphore, #tpu.memory_space<semaphore_mem>> -> memref<1x!tpu.dma_semaphore, #tpu.memory_space<semaphore_mem>>
      %dma_wait3A_310 = tpu.memref_squeeze %dma_wait3A_309 : memref<1x!tpu.dma_semaphore, #tpu.memory_space<semaphore_mem>> -> memref<!tpu.dma_semaphore, #tpu.memory_space<semaphore_mem>>
      tpu.wait_indirect_dma semaphore(%dma_wait3A_310 : memref<!tpu.dma_semaphore, #tpu.memory_space<semaphore_mem>>) src(%dma_wait3A_308 : memref<147456x96xf32, #tpu.memory_space<hbm>>) dst(%dma_wait3A_302 : memref<128x96xf32, #tpu.memory_space<vmem>>)
      %ge3A = arith.constant 2 : i32
      %ge3A_311 = arith.cmpi sge, %scan3A_290, %ge3A : i32
      %convert_element_type3A_312 = arith.extui %ge3A_311 : i1 to i32
      %cond3A_313 = arith.constant 0 : i32
      %cond3A_314 = arith.cmpi ne, %convert_element_type3A_312, %cond3A_313 : i32
      scf.if %cond3A_314 {
        %sub3A_338 = arith.constant 2 : i32
        %sub3A_339 = arith.subi %scan3A_290, %sub3A_338 : i32
        %mul3A_340 = arith.constant 32 : i32
        %mul3A_341 = arith.muli %sub3A_339, %mul3A_340 : i32
        %add3A_342 = arith.addi %mul3A_2, %mul3A_341 : i32
        %dma_wait3A_343 = arith.constant 0 : i32
        %dma_wait3A_344 = arith.constant 0 : i32
        %dma_wait3A_345 = tpu.memref_slice %arg10[%and3A_291, %dma_wait3A_343, %dma_wait3A_344] : memref<2x32x96xf32, #tpu.memory_space<vmem>> -> memref<1x32x96xf32, #tpu.memory_space<vmem>>
        %dma_wait3A_346 = tpu.memref_squeeze %dma_wait3A_345 : memref<1x32x96xf32, #tpu.memory_space<vmem>> -> memref<32x96xf32, #tpu.memory_space<vmem>>
        %dma_wait3A_347 = arith.constant 0 : i32
        %dma_wait3A_348 = tpu.memref_slice %arg4[%add3A_342, %dma_wait3A_347] : memref<147456x96xf32, #tpu.memory_space<hbm>> -> memref<32x96xf32, #tpu.memory_space<hbm>>
        %dma_wait3A_349 = tpu.memref_slice %arg12[%and3A_291] : memref<2x!tpu.dma_semaphore, #tpu.memory_space<semaphore_mem>> -> memref<1x!tpu.dma_semaphore, #tpu.memory_space<semaphore_mem>>
        %dma_wait3A_350 = tpu.memref_squeeze %dma_wait3A_349 : memref<1x!tpu.dma_semaphore, #tpu.memory_space<semaphore_mem>> -> memref<!tpu.dma_semaphore, #tpu.memory_space<semaphore_mem>>
        %dma_wait3A_351 = arith.constant 0 : i32
        %dma_wait3A_352 = tpu.memref_slice %arg4[%add3A_342, %dma_wait3A_351] : memref<147456x96xf32, #tpu.memory_space<hbm>> -> memref<32x96xf32, #tpu.memory_space<hbm>>
        %dma_wait3A_353 = arith.constant 0 : i32
        %dma_wait3A_354 = arith.constant 0 : i32
        %dma_wait3A_355 = tpu.memref_slice %arg10[%and3A_291, %dma_wait3A_353, %dma_wait3A_354] : memref<2x32x96xf32, #tpu.memory_space<vmem>> -> memref<1x32x96xf32, #tpu.memory_space<vmem>>
        %dma_wait3A_356 = tpu.memref_squeeze %dma_wait3A_355 : memref<1x32x96xf32, #tpu.memory_space<vmem>> -> memref<32x96xf32, #tpu.memory_space<vmem>>
        tpu.wait_dma2 semaphore(%dma_wait3A_350 : memref<!tpu.dma_semaphore, #tpu.memory_space<semaphore_mem>>) src(%dma_wait3A_356 : memref<32x96xf32, #tpu.memory_space<vmem>>) dst(%dma_wait3A_352 : memref<32x96xf32, #tpu.memory_space<hbm>>)
      } else {
      }
      %scan3A_315 = arith.constant 0 : i32
      %scan3A_316 = arith.constant 0 : i32
      %scan3A_317 = arith.constant 32 : i32
      %scan3A_318 = arith.addi %scan3A_316, %scan3A_317 : i32
      %scan3A_319 = arith.constant 1 : i32
      scf.for %scan3A_338 = %scan3A_316 to %scan3A_318 step %scan3A_319  : i32 {
        %add3A_339 = arith.constant 0 : i32
        %add3A_340 = arith.addi %add3A_339, %scan3A_338 : i32
        %get3A_341 = arith.index_cast %and3A_291 : i32 to index
        %get3A_342 = arith.index_cast %add3A_340 : i32 to index
        %get3A_343 = tpu.vector_load %arg8[%get3A_341, %get3A_342] {strides = array<i32>} : memref<2x144xf32, #tpu.memory_space<vmem>>, vector<1x16xf32>,
        %get3A_344 = vector.shape_cast %get3A_343 : vector<1x16xf32> to vector<16xf32>
        %slice3A = vector.extract_strided_slice %get3A_344 {offsets = [0], sizes = [1], strides = [1]} : vector<16xf32> to vector<1xf32>
        %squeeze3A = vector.extract %slice3A[0] : f32 from vector<1xf32>
        %add3A_345 = arith.constant 32 : i32
        %add3A_346 = arith.addi %add3A_345, %scan3A_338 : i32
        %get3A_347 = arith.index_cast %and3A_291 : i32 to index
        %get3A_348 = arith.index_cast %add3A_346 : i32 to index
        %get3A_349 = tpu.vector_load %arg8[%get3A_347, %get3A_348] {strides = array<i32>} : memref<2x144xf32, #tpu.memory_space<vmem>>, vector<1x16xf32>,
        %get3A_350 = vector.shape_cast %get3A_349 : vector<1x16xf32> to vector<16xf32>
        %slice3A_351 = vector.extract_strided_slice %get3A_350 {offsets = [0], sizes = [1], strides = [1]} : vector<16xf32> to vector<1xf32>
        %squeeze3A_352 = vector.extract %slice3A_351[0] : f32 from vector<1xf32>
        %add3A_353 = arith.constant 64 : i32
        %add3A_354 = arith.addi %add3A_353, %scan3A_338 : i32
        %get3A_355 = arith.index_cast %and3A_291 : i32 to index
        %get3A_356 = arith.index_cast %add3A_354 : i32 to index
        %get3A_357 = tpu.vector_load %arg8[%get3A_355, %get3A_356] {strides = array<i32>} : memref<2x144xf32, #tpu.memory_space<vmem>>, vector<1x16xf32>,
        %get3A_358 = vector.shape_cast %get3A_357 : vector<1x16xf32> to vector<16xf32>
        %slice3A_359 = vector.extract_strided_slice %get3A_358 {offsets = [0], sizes = [1], strides = [1]} : vector<16xf32> to vector<1xf32>
        %squeeze3A_360 = vector.extract %slice3A_359[0] : f32 from vector<1xf32>
        %add3A_361 = arith.constant 96 : i32
        %add3A_362 = arith.addi %add3A_361, %scan3A_338 : i32
        %get3A_363 = arith.index_cast %and3A_291 : i32 to index
        %get3A_364 = arith.index_cast %add3A_362 : i32 to index
        %get3A_365 = tpu.vector_load %arg8[%get3A_363, %get3A_364] {strides = array<i32>} : memref<2x144xf32, #tpu.memory_space<vmem>>, vector<1x16xf32>,
        %get3A_366 = vector.shape_cast %get3A_365 : vector<1x16xf32> to vector<16xf32>
        %slice3A_367 = vector.extract_strided_slice %get3A_366 {offsets = [0], sizes = [1], strides = [1]} : vector<16xf32> to vector<1xf32>
        %squeeze3A_368 = vector.extract %slice3A_367[0] : f32 from vector<1xf32>
        %add3A_369 = arith.constant 0 : i32
        %add3A_370 = arith.addi %add3A_369, %scan3A_338 : i32
        %get3A_371 = arith.index_cast %and3A_291 : i32 to index
        %get3A_372 = arith.index_cast %add3A_370 : i32 to index
        %get3A_373 = arith.constant 0 : index
        %get3A_374 = tpu.vector_load %arg9[%get3A_371, %get3A_372, %get3A_373] {strides = array<i32>} : memref<2x128x96xf32, #tpu.memory_space<vmem>>, vector<1x1x16xf32>,
        %get3A_375 = vector.shape_cast %get3A_374 : vector<1x1x16xf32> to vector<16xf32>
        %mul3A_376 = vector.broadcast %squeeze3A : f32 to vector<16xf32>
        %mul3A_377 = arith.mulf %mul3A_376, %get3A_375 : vector<16xf32>
        %add3A_378 = arith.constant 32 : i32
        %add3A_379 = arith.addi %add3A_378, %scan3A_338 : i32
        %get3A_380 = arith.index_cast %and3A_291 : i32 to index
        %get3A_381 = arith.index_cast %add3A_379 : i32 to index
        %get3A_382 = arith.constant 0 : index
        %get3A_383 = tpu.vector_load %arg9[%get3A_380, %get3A_381, %get3A_382] {strides = array<i32>} : memref<2x128x96xf32, #tpu.memory_space<vmem>>, vector<1x1x16xf32>,
        %get3A_384 = vector.shape_cast %get3A_383 : vector<1x1x16xf32> to vector<16xf32>
        %mul3A_385 = vector.broadcast %squeeze3A_352 : f32 to vector<16xf32>
        %mul3A_386 = arith.mulf %mul3A_385, %get3A_384 : vector<16xf32>
        %add3A_387 = arith.addf %mul3A_377, %mul3A_386 : vector<16xf32>
        %add3A_388 = arith.constant 64 : i32
        %add3A_389 = arith.addi %add3A_388, %scan3A_338 : i32
        %get3A_390 = arith.index_cast %and3A_291 : i32 to index
        %get3A_391 = arith.index_cast %add3A_389 : i32 to index
        %get3A_392 = arith.constant 0 : index
        %get3A_393 = tpu.vector_load %arg9[%get3A_390, %get3A_391, %get3A_392] {strides = array<i32>} : memref<2x128x96xf32, #tpu.memory_space<vmem>>, vector<1x1x16xf32>,
        %get3A_394 = vector.shape_cast %get3A_393 : vector<1x1x16xf32> to vector<16xf32>
        %mul3A_395 = vector.broadcast %squeeze3A_360 : f32 to vector<16xf32>
        %mul3A_396 = arith.mulf %mul3A_395, %get3A_394 : vector<16xf32>
        %add3A_397 = arith.addf %add3A_387, %mul3A_396 : vector<16xf32>
        %add3A_398 = arith.constant 96 : i32
        %add3A_399 = arith.addi %add3A_398, %scan3A_338 : i32
        %get3A_400 = arith.index_cast %and3A_291 : i32 to index
        %get3A_401 = arith.index_cast %add3A_399 : i32 to index
        %get3A_402 = arith.constant 0 : index
        %get3A_403 = tpu.vector_load %arg9[%get3A_400, %get3A_401, %get3A_402] {strides = array<i32>} : memref<2x128x96xf32, #tpu.memory_space<vmem>>, vector<1x1x16xf32>,
        %get3A_404 = vector.shape_cast %get3A_403 : vector<1x1x16xf32> to vector<16xf32>
        %mul3A_405 = vector.broadcast %squeeze3A_368 : f32 to vector<16xf32>
        %mul3A_406 = arith.mulf %mul3A_405, %get3A_404 : vector<16xf32>
        %add3A_407 = arith.addf %add3A_397, %mul3A_406 : vector<16xf32>
        %swap3A_408 = arith.index_cast %and3A_291 : i32 to index
        %swap3A_409 = arith.index_cast %scan3A_338 : i32 to index
        %swap3A_410 = arith.constant 0 : index
        %swap3A_411 = tpu.vector_load %arg10[%swap3A_408, %swap3A_409, %swap3A_410] {strides = array<i32>} : memref<2x32x96xf32, #tpu.memory_space<vmem>>, vector<1x1x16xf32>,
        %swap3A_412 = vector.shape_cast %swap3A_411 : vector<1x1x16xf32> to vector<16xf32>
        %swap3A_413 = vector.shape_cast %add3A_407 : vector<16xf32> to vector<1x1x16xf32>
        tpu.vector_store %arg10[%swap3A_408, %swap3A_409, %swap3A_410], %swap3A_413 {strides = array<i32>} : memref<2x32x96xf32, #tpu.memory_space<vmem>>, vector<1x1x16xf32>,
        %add3A_414 = arith.constant 0 : i32
        %add3A_415 = arith.addi %add3A_414, %scan3A_338 : i32
        %get3A_416 = arith.index_cast %and3A_291 : i32 to index
        %get3A_417 = arith.index_cast %add3A_415 : i32 to index
        %get3A_418 = arith.constant 16 : index
        %get3A_419 = tpu.vector_load %arg9[%get3A_416, %get3A_417, %get3A_418] {strides = array<i32>} : memref<2x128x96xf32, #tpu.memory_space<vmem>>, vector<1x1x16xf32>,
        %get3A_420 = vector.shape_cast %get3A_419 : vector<1x1x16xf32> to vector<16xf32>
        %mul3A_421 = vector.broadcast %squeeze3A : f32 to vector<16xf32>
        %mul3A_422 = arith.mulf %mul3A_421, %get3A_420 : vector<16xf32>
        %add3A_423 = arith.constant 32 : i32
        %add3A_424 = arith.addi %add3A_423, %scan3A_338 : i32
        %get3A_425 = arith.index_cast %and3A_291 : i32 to index
        %get3A_426 = arith.index_cast %add3A_424 : i32 to index
        %get3A_427 = arith.constant 16 : index
        %get3A_428 = tpu.vector_load %arg9[%get3A_425, %get3A_426, %get3A_427] {strides = array<i32>} : memref<2x128x96xf32, #tpu.memory_space<vmem>>, vector<1x1x16xf32>,
        %get3A_429 = vector.shape_cast %get3A_428 : vector<1x1x16xf32> to vector<16xf32>
        %mul3A_430 = vector.broadcast %squeeze3A_352 : f32 to vector<16xf32>
        %mul3A_431 = arith.mulf %mul3A_430, %get3A_429 : vector<16xf32>
        %add3A_432 = arith.addf %mul3A_422, %mul3A_431 : vector<16xf32>
        %add3A_433 = arith.constant 64 : i32
        %add3A_434 = arith.addi %add3A_433, %scan3A_338 : i32
        %get3A_435 = arith.index_cast %and3A_291 : i32 to index
        %get3A_436 = arith.index_cast %add3A_434 : i32 to index
        %get3A_437 = arith.constant 16 : index
        %get3A_438 = tpu.vector_load %arg9[%get3A_435, %get3A_436, %get3A_437] {strides = array<i32>} : memref<2x128x96xf32, #tpu.memory_space<vmem>>, vector<1x1x16xf32>,
        %get3A_439 = vector.shape_cast %get3A_438 : vector<1x1x16xf32> to vector<16xf32>
        %mul3A_440 = vector.broadcast %squeeze3A_360 : f32 to vector<16xf32>
        %mul3A_441 = arith.mulf %mul3A_440, %get3A_439 : vector<16xf32>
        %add3A_442 = arith.addf %add3A_432, %mul3A_441 : vector<16xf32>
        %add3A_443 = arith.constant 96 : i32
        %add3A_444 = arith.addi %add3A_443, %scan3A_338 : i32
        %get3A_445 = arith.index_cast %and3A_291 : i32 to index
        %get3A_446 = arith.index_cast %add3A_444 : i32 to index
        %get3A_447 = arith.constant 16 : index
        %get3A_448 = tpu.vector_load %arg9[%get3A_445, %get3A_446, %get3A_447] {strides = array<i32>} : memref<2x128x96xf32, #tpu.memory_space<vmem>>, vector<1x1x16xf32>,
        %get3A_449 = vector.shape_cast %get3A_448 : vector<1x1x16xf32> to vector<16xf32>
        %mul3A_450 = vector.broadcast %squeeze3A_368 : f32 to vector<16xf32>
        %mul3A_451 = arith.mulf %mul3A_450, %get3A_449 : vector<16xf32>
        %add3A_452 = arith.addf %add3A_442, %mul3A_451 : vector<16xf32>
        %swap3A_453 = arith.index_cast %and3A_291 : i32 to index
        %swap3A_454 = arith.index_cast %scan3A_338 : i32 to index
        %swap3A_455 = arith.constant 16 : index
        %swap3A_456 = tpu.vector_load %arg10[%swap3A_453, %swap3A_454, %swap3A_455] {strides = array<i32>} : memref<2x32x96xf32, #tpu.memory_space<vmem>>, vector<1x1x16xf32>,
        %swap3A_457 = vector.shape_cast %swap3A_456 : vector<1x1x16xf32> to vector<16xf32>
        %swap3A_458 = vector.shape_cast %add3A_452 : vector<16xf32> to vector<1x1x16xf32>
        tpu.vector_store %arg10[%swap3A_453, %swap3A_454, %swap3A_455], %swap3A_458 {strides = array<i32>} : memref<2x32x96xf32, #tpu.memory_space<vmem>>, vector<1x1x16xf32>,
        %add3A_459 = arith.constant 0 : i32
        %add3A_460 = arith.addi %add3A_459, %scan3A_338 : i32
        %get3A_461 = arith.index_cast %and3A_291 : i32 to index
        %get3A_462 = arith.index_cast %add3A_460 : i32 to index
        %get3A_463 = arith.constant 32 : index
        %get3A_464 = tpu.vector_load %arg9[%get3A_461, %get3A_462, %get3A_463] {strides = array<i32>} : memref<2x128x96xf32, #tpu.memory_space<vmem>>, vector<1x1x16xf32>,
        %get3A_465 = vector.shape_cast %get3A_464 : vector<1x1x16xf32> to vector<16xf32>
        %mul3A_466 = vector.broadcast %squeeze3A : f32 to vector<16xf32>
        %mul3A_467 = arith.mulf %mul3A_466, %get3A_465 : vector<16xf32>
        %add3A_468 = arith.constant 32 : i32
        %add3A_469 = arith.addi %add3A_468, %scan3A_338 : i32
        %get3A_470 = arith.index_cast %and3A_291 : i32 to index
        %get3A_471 = arith.index_cast %add3A_469 : i32 to index
        %get3A_472 = arith.constant 32 : index
        %get3A_473 = tpu.vector_load %arg9[%get3A_470, %get3A_471, %get3A_472] {strides = array<i32>} : memref<2x128x96xf32, #tpu.memory_space<vmem>>, vector<1x1x16xf32>,
        %get3A_474 = vector.shape_cast %get3A_473 : vector<1x1x16xf32> to vector<16xf32>
        %mul3A_475 = vector.broadcast %squeeze3A_352 : f32 to vector<16xf32>
        %mul3A_476 = arith.mulf %mul3A_475, %get3A_474 : vector<16xf32>
        %add3A_477 = arith.addf %mul3A_467, %mul3A_476 : vector<16xf32>
        %add3A_478 = arith.constant 64 : i32
        %add3A_479 = arith.addi %add3A_478, %scan3A_338 : i32
        %get3A_480 = arith.index_cast %and3A_291 : i32 to index
        %get3A_481 = arith.index_cast %add3A_479 : i32 to index
        %get3A_482 = arith.constant 32 : index
        %get3A_483 = tpu.vector_load %arg9[%get3A_480, %get3A_481, %get3A_482] {strides = array<i32>} : memref<2x128x96xf32, #tpu.memory_space<vmem>>, vector<1x1x16xf32>,
        %get3A_484 = vector.shape_cast %get3A_483 : vector<1x1x16xf32> to vector<16xf32>
        %mul3A_485 = vector.broadcast %squeeze3A_360 : f32 to vector<16xf32>
        %mul3A_486 = arith.mulf %mul3A_485, %get3A_484 : vector<16xf32>
        %add3A_487 = arith.addf %add3A_477, %mul3A_486 : vector<16xf32>
        %add3A_488 = arith.constant 96 : i32
        %add3A_489 = arith.addi %add3A_488, %scan3A_338 : i32
        %get3A_490 = arith.index_cast %and3A_291 : i32 to index
        %get3A_491 = arith.index_cast %add3A_489 : i32 to index
        %get3A_492 = arith.constant 32 : index
        %get3A_493 = tpu.vector_load %arg9[%get3A_490, %get3A_491, %get3A_492] {strides = array<i32>} : memref<2x128x96xf32, #tpu.memory_space<vmem>>, vector<1x1x16xf32>,
        %get3A_494 = vector.shape_cast %get3A_493 : vector<1x1x16xf32> to vector<16xf32>
        %mul3A_495 = vector.broadcast %squeeze3A_368 : f32 to vector<16xf32>
        %mul3A_496 = arith.mulf %mul3A_495, %get3A_494 : vector<16xf32>
        %add3A_497 = arith.addf %add3A_487, %mul3A_496 : vector<16xf32>
        %swap3A_498 = arith.index_cast %and3A_291 : i32 to index
        %swap3A_499 = arith.index_cast %scan3A_338 : i32 to index
        %swap3A_500 = arith.constant 32 : index
        %swap3A_501 = tpu.vector_load %arg10[%swap3A_498, %swap3A_499, %swap3A_500] {strides = array<i32>} : memref<2x32x96xf32, #tpu.memory_space<vmem>>, vector<1x1x16xf32>,
        %swap3A_502 = vector.shape_cast %swap3A_501 : vector<1x1x16xf32> to vector<16xf32>
        %swap3A_503 = vector.shape_cast %add3A_497 : vector<16xf32> to vector<1x1x16xf32>
        tpu.vector_store %arg10[%swap3A_498, %swap3A_499, %swap3A_500], %swap3A_503 {strides = array<i32>} : memref<2x32x96xf32, #tpu.memory_space<vmem>>, vector<1x1x16xf32>,
        %add3A_504 = arith.constant 0 : i32
        %add3A_505 = arith.addi %add3A_504, %scan3A_338 : i32
        %get3A_506 = arith.index_cast %and3A_291 : i32 to index
        %get3A_507 = arith.index_cast %add3A_505 : i32 to index
        %get3A_508 = arith.constant 48 : index
        %get3A_509 = tpu.vector_load %arg9[%get3A_506, %get3A_507, %get3A_508] {strides = array<i32>} : memref<2x128x96xf32, #tpu.memory_space<vmem>>, vector<1x1x16xf32>,
        %get3A_510 = vector.shape_cast %get3A_509 : vector<1x1x16xf32> to vector<16xf32>
        %mul3A_511 = vector.broadcast %squeeze3A : f32 to vector<16xf32>
        %mul3A_512 = arith.mulf %mul3A_511, %get3A_510 : vector<16xf32>
        %add3A_513 = arith.constant 32 : i32
        %add3A_514 = arith.addi %add3A_513, %scan3A_338 : i32
        %get3A_515 = arith.index_cast %and3A_291 : i32 to index
        %get3A_516 = arith.index_cast %add3A_514 : i32 to index
        %get3A_517 = arith.constant 48 : index
        %get3A_518 = tpu.vector_load %arg9[%get3A_515, %get3A_516, %get3A_517] {strides = array<i32>} : memref<2x128x96xf32, #tpu.memory_space<vmem>>, vector<1x1x16xf32>,
        %get3A_519 = vector.shape_cast %get3A_518 : vector<1x1x16xf32> to vector<16xf32>
        %mul3A_520 = vector.broadcast %squeeze3A_352 : f32 to vector<16xf32>
        %mul3A_521 = arith.mulf %mul3A_520, %get3A_519 : vector<16xf32>
        %add3A_522 = arith.addf %mul3A_512, %mul3A_521 : vector<16xf32>
        %add3A_523 = arith.constant 64 : i32
        %add3A_524 = arith.addi %add3A_523, %scan3A_338 : i32
        %get3A_525 = arith.index_cast %and3A_291 : i32 to index
        %get3A_526 = arith.index_cast %add3A_524 : i32 to index
        %get3A_527 = arith.constant 48 : index
        %get3A_528 = tpu.vector_load %arg9[%get3A_525, %get3A_526, %get3A_527] {strides = array<i32>} : memref<2x128x96xf32, #tpu.memory_space<vmem>>, vector<1x1x16xf32>,
        %get3A_529 = vector.shape_cast %get3A_528 : vector<1x1x16xf32> to vector<16xf32>
        %mul3A_530 = vector.broadcast %squeeze3A_360 : f32 to vector<16xf32>
        %mul3A_531 = arith.mulf %mul3A_530, %get3A_529 : vector<16xf32>
        %add3A_532 = arith.addf %add3A_522, %mul3A_531 : vector<16xf32>
        %add3A_533 = arith.constant 96 : i32
        %add3A_534 = arith.addi %add3A_533, %scan3A_338 : i32
        %get3A_535 = arith.index_cast %and3A_291 : i32 to index
        %get3A_536 = arith.index_cast %add3A_534 : i32 to index
        %get3A_537 = arith.constant 48 : index
        %get3A_538 = tpu.vector_load %arg9[%get3A_535, %get3A_536, %get3A_537] {strides = array<i32>} : memref<2x128x96xf32, #tpu.memory_space<vmem>>, vector<1x1x16xf32>,
        %get3A_539 = vector.shape_cast %get3A_538 : vector<1x1x16xf32> to vector<16xf32>
        %mul3A_540 = vector.broadcast %squeeze3A_368 : f32 to vector<16xf32>
        %mul3A_541 = arith.mulf %mul3A_540, %get3A_539 : vector<16xf32>
        %add3A_542 = arith.addf %add3A_532, %mul3A_541 : vector<16xf32>
        %swap3A_543 = arith.index_cast %and3A_291 : i32 to index
        %swap3A_544 = arith.index_cast %scan3A_338 : i32 to index
        %swap3A_545 = arith.constant 48 : index
        %swap3A_546 = tpu.vector_load %arg10[%swap3A_543, %swap3A_544, %swap3A_545] {strides = array<i32>} : memref<2x32x96xf32, #tpu.memory_space<vmem>>, vector<1x1x16xf32>,
        %swap3A_547 = vector.shape_cast %swap3A_546 : vector<1x1x16xf32> to vector<16xf32>
        %swap3A_548 = vector.shape_cast %add3A_542 : vector<16xf32> to vector<1x1x16xf32>
        tpu.vector_store %arg10[%swap3A_543, %swap3A_544, %swap3A_545], %swap3A_548 {strides = array<i32>} : memref<2x32x96xf32, #tpu.memory_space<vmem>>, vector<1x1x16xf32>,
        %add3A_549 = arith.constant 0 : i32
        %add3A_550 = arith.addi %add3A_549, %scan3A_338 : i32
        %get3A_551 = arith.index_cast %and3A_291 : i32 to index
        %get3A_552 = arith.index_cast %add3A_550 : i32 to index
        %get3A_553 = arith.constant 64 : index
        %get3A_554 = tpu.vector_load %arg9[%get3A_551, %get3A_552, %get3A_553] {strides = array<i32>} : memref<2x128x96xf32, #tpu.memory_space<vmem>>, vector<1x1x16xf32>,
        %get3A_555 = vector.shape_cast %get3A_554 : vector<1x1x16xf32> to vector<16xf32>
        %mul3A_556 = vector.broadcast %squeeze3A : f32 to vector<16xf32>
        %mul3A_557 = arith.mulf %mul3A_556, %get3A_555 : vector<16xf32>
        %add3A_558 = arith.constant 32 : i32
        %add3A_559 = arith.addi %add3A_558, %scan3A_338 : i32
        %get3A_560 = arith.index_cast %and3A_291 : i32 to index
        %get3A_561 = arith.index_cast %add3A_559 : i32 to index
        %get3A_562 = arith.constant 64 : index
        %get3A_563 = tpu.vector_load %arg9[%get3A_560, %get3A_561, %get3A_562] {strides = array<i32>} : memref<2x128x96xf32, #tpu.memory_space<vmem>>, vector<1x1x16xf32>,
        %get3A_564 = vector.shape_cast %get3A_563 : vector<1x1x16xf32> to vector<16xf32>
        %mul3A_565 = vector.broadcast %squeeze3A_352 : f32 to vector<16xf32>
        %mul3A_566 = arith.mulf %mul3A_565, %get3A_564 : vector<16xf32>
        %add3A_567 = arith.addf %mul3A_557, %mul3A_566 : vector<16xf32>
        %add3A_568 = arith.constant 64 : i32
        %add3A_569 = arith.addi %add3A_568, %scan3A_338 : i32
        %get3A_570 = arith.index_cast %and3A_291 : i32 to index
        %get3A_571 = arith.index_cast %add3A_569 : i32 to index
        %get3A_572 = arith.constant 64 : index
        %get3A_573 = tpu.vector_load %arg9[%get3A_570, %get3A_571, %get3A_572] {strides = array<i32>} : memref<2x128x96xf32, #tpu.memory_space<vmem>>, vector<1x1x16xf32>,
        %get3A_574 = vector.shape_cast %get3A_573 : vector<1x1x16xf32> to vector<16xf32>
        %mul3A_575 = vector.broadcast %squeeze3A_360 : f32 to vector<16xf32>
        %mul3A_576 = arith.mulf %mul3A_575, %get3A_574 : vector<16xf32>
        %add3A_577 = arith.addf %add3A_567, %mul3A_576 : vector<16xf32>
        %add3A_578 = arith.constant 96 : i32
        %add3A_579 = arith.addi %add3A_578, %scan3A_338 : i32
        %get3A_580 = arith.index_cast %and3A_291 : i32 to index
        %get3A_581 = arith.index_cast %add3A_579 : i32 to index
        %get3A_582 = arith.constant 64 : index
        %get3A_583 = tpu.vector_load %arg9[%get3A_580, %get3A_581, %get3A_582] {strides = array<i32>} : memref<2x128x96xf32, #tpu.memory_space<vmem>>, vector<1x1x16xf32>,
        %get3A_584 = vector.shape_cast %get3A_583 : vector<1x1x16xf32> to vector<16xf32>
        %mul3A_585 = vector.broadcast %squeeze3A_368 : f32 to vector<16xf32>
        %mul3A_586 = arith.mulf %mul3A_585, %get3A_584 : vector<16xf32>
        %add3A_587 = arith.addf %add3A_577, %mul3A_586 : vector<16xf32>
        %swap3A_588 = arith.index_cast %and3A_291 : i32 to index
        %swap3A_589 = arith.index_cast %scan3A_338 : i32 to index
        %swap3A_590 = arith.constant 64 : index
        %swap3A_591 = tpu.vector_load %arg10[%swap3A_588, %swap3A_589, %swap3A_590] {strides = array<i32>} : memref<2x32x96xf32, #tpu.memory_space<vmem>>, vector<1x1x16xf32>,
        %swap3A_592 = vector.shape_cast %swap3A_591 : vector<1x1x16xf32> to vector<16xf32>
        %swap3A_593 = vector.shape_cast %add3A_587 : vector<16xf32> to vector<1x1x16xf32>
        tpu.vector_store %arg10[%swap3A_588, %swap3A_589, %swap3A_590], %swap3A_593 {strides = array<i32>} : memref<2x32x96xf32, #tpu.memory_space<vmem>>, vector<1x1x16xf32>,
        %add3A_594 = arith.constant 0 : i32
        %add3A_595 = arith.addi %add3A_594, %scan3A_338 : i32
        %get3A_596 = arith.index_cast %and3A_291 : i32 to index
        %get3A_597 = arith.index_cast %add3A_595 : i32 to index
        %get3A_598 = arith.constant 80 : index
        %get3A_599 = tpu.vector_load %arg9[%get3A_596, %get3A_597, %get3A_598] {strides = array<i32>} : memref<2x128x96xf32, #tpu.memory_space<vmem>>, vector<1x1x16xf32>,
        %get3A_600 = vector.shape_cast %get3A_599 : vector<1x1x16xf32> to vector<16xf32>
        %mul3A_601 = vector.broadcast %squeeze3A : f32 to vector<16xf32>
        %mul3A_602 = arith.mulf %mul3A_601, %get3A_600 : vector<16xf32>
        %add3A_603 = arith.constant 32 : i32
        %add3A_604 = arith.addi %add3A_603, %scan3A_338 : i32
        %get3A_605 = arith.index_cast %and3A_291 : i32 to index
        %get3A_606 = arith.index_cast %add3A_604 : i32 to index
        %get3A_607 = arith.constant 80 : index
        %get3A_608 = tpu.vector_load %arg9[%get3A_605, %get3A_606, %get3A_607] {strides = array<i32>} : memref<2x128x96xf32, #tpu.memory_space<vmem>>, vector<1x1x16xf32>,
        %get3A_609 = vector.shape_cast %get3A_608 : vector<1x1x16xf32> to vector<16xf32>
        %mul3A_610 = vector.broadcast %squeeze3A_352 : f32 to vector<16xf32>
        %mul3A_611 = arith.mulf %mul3A_610, %get3A_609 : vector<16xf32>
        %add3A_612 = arith.addf %mul3A_602, %mul3A_611 : vector<16xf32>
        %add3A_613 = arith.constant 64 : i32
        %add3A_614 = arith.addi %add3A_613, %scan3A_338 : i32
        %get3A_615 = arith.index_cast %and3A_291 : i32 to index
        %get3A_616 = arith.index_cast %add3A_614 : i32 to index
        %get3A_617 = arith.constant 80 : index
        %get3A_618 = tpu.vector_load %arg9[%get3A_615, %get3A_616, %get3A_617] {strides = array<i32>} : memref<2x128x96xf32, #tpu.memory_space<vmem>>, vector<1x1x16xf32>,
        %get3A_619 = vector.shape_cast %get3A_618 : vector<1x1x16xf32> to vector<16xf32>
        %mul3A_620 = vector.broadcast %squeeze3A_360 : f32 to vector<16xf32>
        %mul3A_621 = arith.mulf %mul3A_620, %get3A_619 : vector<16xf32>
        %add3A_622 = arith.addf %add3A_612, %mul3A_621 : vector<16xf32>
        %add3A_623 = arith.constant 96 : i32
        %add3A_624 = arith.addi %add3A_623, %scan3A_338 : i32
        %get3A_625 = arith.index_cast %and3A_291 : i32 to index
        %get3A_626 = arith.index_cast %add3A_624 : i32 to index
        %get3A_627 = arith.constant 80 : index
        %get3A_628 = tpu.vector_load %arg9[%get3A_625, %get3A_626, %get3A_627] {strides = array<i32>} : memref<2x128x96xf32, #tpu.memory_space<vmem>>, vector<1x1x16xf32>,
        %get3A_629 = vector.shape_cast %get3A_628 : vector<1x1x16xf32> to vector<16xf32>
        %mul3A_630 = vector.broadcast %squeeze3A_368 : f32 to vector<16xf32>
        %mul3A_631 = arith.mulf %mul3A_630, %get3A_629 : vector<16xf32>
        %add3A_632 = arith.addf %add3A_622, %mul3A_631 : vector<16xf32>
        %swap3A_633 = arith.index_cast %and3A_291 : i32 to index
        %swap3A_634 = arith.index_cast %scan3A_338 : i32 to index
        %swap3A_635 = arith.constant 80 : index
        %swap3A_636 = tpu.vector_load %arg10[%swap3A_633, %swap3A_634, %swap3A_635] {strides = array<i32>} : memref<2x32x96xf32, #tpu.memory_space<vmem>>, vector<1x1x16xf32>,
        %swap3A_637 = vector.shape_cast %swap3A_636 : vector<1x1x16xf32> to vector<16xf32>
        %swap3A_638 = vector.shape_cast %add3A_632 : vector<16xf32> to vector<1x1x16xf32>
        tpu.vector_store %arg10[%swap3A_633, %swap3A_634, %swap3A_635], %swap3A_638 {strides = array<i32>} : memref<2x32x96xf32, #tpu.memory_space<vmem>>, vector<1x1x16xf32>,
      }
      %scan3A_320 = arith.constant 32 : i32
      %mul3A_321 = arith.constant 32 : i32
      %mul3A_322 = arith.muli %scan3A_290, %mul3A_321 : i32
      %add3A_323 = arith.addi %mul3A_2, %mul3A_322 : i32
      %dma_start3A_324 = arith.constant 0 : i32
      %dma_start3A_325 = arith.constant 0 : i32
      %dma_start3A_326 = tpu.memref_slice %arg10[%and3A_291, %dma_start3A_324, %dma_start3A_325] : memref<2x32x96xf32, #tpu.memory_space<vmem>> -> memref<1x32x96xf32, #tpu.memory_space<vmem>>
      %dma_start3A_327 = tpu.memref_squeeze %dma_start3A_326 : memref<1x32x96xf32, #tpu.memory_space<vmem>> -> memref<32x96xf32, #tpu.memory_space<vmem>>
      %dma_start3A_328 = arith.constant 0 : i32
      %dma_start3A_329 = tpu.memref_slice %arg4[%add3A_323, %dma_start3A_328] : memref<147456x96xf32, #tpu.memory_space<hbm>> -> memref<32x96xf32, #tpu.memory_space<hbm>>
      %dma_start3A_330 = tpu.memref_slice %arg12[%and3A_291] : memref<2x!tpu.dma_semaphore, #tpu.memory_space<semaphore_mem>> -> memref<1x!tpu.dma_semaphore, #tpu.memory_space<semaphore_mem>>
      %dma_start3A_331 = tpu.memref_squeeze %dma_start3A_330 : memref<1x!tpu.dma_semaphore, #tpu.memory_space<semaphore_mem>> -> memref<!tpu.dma_semaphore, #tpu.memory_space<semaphore_mem>>
      %dma_start3A_332 = arith.constant 0 : i32
      %dma_start3A_333 = tpu.memref_slice %arg4[%add3A_323, %dma_start3A_332] : memref<147456x96xf32, #tpu.memory_space<hbm>> -> memref<32x96xf32, #tpu.memory_space<hbm>>
      %dma_start3A_334 = arith.constant 0 : i32
      %dma_start3A_335 = arith.constant 0 : i32
      %dma_start3A_336 = tpu.memref_slice %arg10[%and3A_291, %dma_start3A_334, %dma_start3A_335] : memref<2x32x96xf32, #tpu.memory_space<vmem>> -> memref<1x32x96xf32, #tpu.memory_space<vmem>>
      %dma_start3A_337 = tpu.memref_squeeze %dma_start3A_336 : memref<1x32x96xf32, #tpu.memory_space<vmem>> -> memref<32x96xf32, #tpu.memory_space<vmem>>
      tpu.enqueue_dma source(%dma_start3A_337 : memref<32x96xf32, #tpu.memory_space<vmem>>) target(%dma_start3A_333 : memref<32x96xf32, #tpu.memory_space<hbm>>) target_semaphore(%dma_start3A_331 : memref<!tpu.dma_semaphore, #tpu.memory_space<semaphore_mem>>)
    }
    %scan3A_254 = arith.constant 144 : i32
    %add3A_255 = arith.constant 4544 : i32
    %add3A_256 = arith.addi %mul3A_2, %add3A_255 : i32
    %dma_wait3A = arith.constant 0 : i32
    %dma_wait3A_257 = arith.constant 0 : i32
    %dma_wait3A_258 = arith.constant 0 : i32
    %dma_wait3A_259 = arith.constant 0 : i32
    %dma_wait3A_260 = tpu.memref_slice %arg10[%dma_wait3A, %dma_wait3A_258, %dma_wait3A_259] : memref<2x32x96xf32, #tpu.memory_space<vmem>> -> memref<1x32x96xf32, #tpu.memory_space<vmem>>
    %dma_wait3A_261 = tpu.memref_squeeze %dma_wait3A_260 : memref<1x32x96xf32, #tpu.memory_space<vmem>> -> memref<32x96xf32, #tpu.memory_space<vmem>>
    %dma_wait3A_262 = arith.constant 0 : i32
    %dma_wait3A_263 = tpu.memref_slice %arg4[%add3A_256, %dma_wait3A_262] : memref<147456x96xf32, #tpu.memory_space<hbm>> -> memref<32x96xf32, #tpu.memory_space<hbm>>
    %dma_wait3A_264 = tpu.memref_slice %arg12[%dma_wait3A_257] : memref<2x!tpu.dma_semaphore, #tpu.memory_space<semaphore_mem>> -> memref<1x!tpu.dma_semaphore, #tpu.memory_space<semaphore_mem>>
    %dma_wait3A_265 = tpu.memref_squeeze %dma_wait3A_264 : memref<1x!tpu.dma_semaphore, #tpu.memory_space<semaphore_mem>> -> memref<!tpu.dma_semaphore, #tpu.memory_space<semaphore_mem>>
    %dma_wait3A_266 = arith.constant 0 : i32
    %dma_wait3A_267 = tpu.memref_slice %arg4[%add3A_256, %dma_wait3A_266] : memref<147456x96xf32, #tpu.memory_space<hbm>> -> memref<32x96xf32, #tpu.memory_space<hbm>>
    %dma_wait3A_268 = arith.constant 0 : i32
    %dma_wait3A_269 = arith.constant 0 : i32
    %dma_wait3A_270 = tpu.memref_slice %arg10[%dma_wait3A, %dma_wait3A_268, %dma_wait3A_269] : memref<2x32x96xf32, #tpu.memory_space<vmem>> -> memref<1x32x96xf32, #tpu.memory_space<vmem>>
    %dma_wait3A_271 = tpu.memref_squeeze %dma_wait3A_270 : memref<1x32x96xf32, #tpu.memory_space<vmem>> -> memref<32x96xf32, #tpu.memory_space<vmem>>
    tpu.wait_dma2 semaphore(%dma_wait3A_265 : memref<!tpu.dma_semaphore, #tpu.memory_space<semaphore_mem>>) src(%dma_wait3A_271 : memref<32x96xf32, #tpu.memory_space<vmem>>) dst(%dma_wait3A_267 : memref<32x96xf32, #tpu.memory_space<hbm>>)
    %add3A_272 = arith.constant 4576 : i32
    %add3A_273 = arith.addi %mul3A_2, %add3A_272 : i32
    %dma_wait3A_274 = arith.constant 1 : i32
    %dma_wait3A_275 = arith.constant 1 : i32
    %dma_wait3A_276 = arith.constant 0 : i32
    %dma_wait3A_277 = arith.constant 0 : i32
    %dma_wait3A_278 = tpu.memref_slice %arg10[%dma_wait3A_274, %dma_wait3A_276, %dma_wait3A_277] : memref<2x32x96xf32, #tpu.memory_space<vmem>> -> memref<1x32x96xf32, #tpu.memory_space<vmem>>
    %dma_wait3A_279 = tpu.memref_squeeze %dma_wait3A_278 : memref<1x32x96xf32, #tpu.memory_space<vmem>> -> memref<32x96xf32, #tpu.memory_space<vmem>>
    %dma_wait3A_280 = arith.constant 0 : i32
    %dma_wait3A_281 = tpu.memref_slice %arg4[%add3A_273, %dma_wait3A_280] : memref<147456x96xf32, #tpu.memory_space<hbm>> -> memref<32x96xf32, #tpu.memory_space<hbm>>
    %dma_wait3A_282 = tpu.memref_slice %arg12[%dma_wait3A_275] : memref<2x!tpu.dma_semaphore, #tpu.memory_space<semaphore_mem>> -> memref<1x!tpu.dma_semaphore, #tpu.memory_space<semaphore_mem>>
    %dma_wait3A_283 = tpu.memref_squeeze %dma_wait3A_282 : memref<1x!tpu.dma_semaphore, #tpu.memory_space<semaphore_mem>> -> memref<!tpu.dma_semaphore, #tpu.memory_space<semaphore_mem>>
    %dma_wait3A_284 = arith.constant 0 : i32
    %dma_wait3A_285 = tpu.memref_slice %arg4[%add3A_273, %dma_wait3A_284] : memref<147456x96xf32, #tpu.memory_space<hbm>> -> memref<32x96xf32, #tpu.memory_space<hbm>>
    %dma_wait3A_286 = arith.constant 0 : i32
    %dma_wait3A_287 = arith.constant 0 : i32
    %dma_wait3A_288 = tpu.memref_slice %arg10[%dma_wait3A_274, %dma_wait3A_286, %dma_wait3A_287] : memref<2x32x96xf32, #tpu.memory_space<vmem>> -> memref<1x32x96xf32, #tpu.memory_space<vmem>>
    %dma_wait3A_289 = tpu.memref_squeeze %dma_wait3A_288 : memref<1x32x96xf32, #tpu.memory_space<vmem>> -> memref<32x96xf32, #tpu.memory_space<vmem>>
    tpu.wait_dma2 semaphore(%dma_wait3A_283 : memref<!tpu.dma_semaphore, #tpu.memory_space<semaphore_mem>>) src(%dma_wait3A_289 : memref<32x96xf32, #tpu.memory_space<vmem>>) dst(%dma_wait3A_285 : memref<32x96xf32, #tpu.memory_space<hbm>>)
    return
  }
}

</mosaic_0001>

<sc_bundles>
// kernel: sparse-core-data-format-call.cloned.1.call-start
scs
called_computation_lowered:
.L_overlay_start_0:
0x0: {  	s2 =	sld [smem:$0x3FD9]  }
0x1: {  	s3 =	sld [smem:$0x3FFE];
	_ =	sdelay $0x1  }
0x2: {  	s1 =	srdreg.scid  }
0x3: {  	s0 =	sand.u32 $0x1, s1  }
0x4: {  	s18 =	sshll.u32 s0, $0xA;
	s2 =	sadd.s32 s3, s2  }
0x5: {  	s2 =	sadd.s32 s2, s18  }
0x6: {  	[smem:$0x3FC6] =	sst s2  }
0x7: {  	_ = 	snop  }
0x8: {  	s2 =	sld [smem:$0x3FD0];
	(tm) =	ssettm $0x1  }
0x9: {  	s19 =	sld [smem:$0x3FFB];
	_ =	sdelay $0x3  }
0xa: {  	_ =	strace s19  }
0xb: {  	s3 =	sld [smem:$0x3FFC];
	_ =	sdelay $0x3  }
0xc: {  	_ =	strace s3  }
0xd: {  	s3 =	sld [smem:$0x3FFD];
	_ =	sdelay $0x3  }
0xe: {  	_ =	strace s3  }
0xf: {  	_ =	strace $0x8FFFFFFF  }
0x10: {  	s20 =	sld [smem:$0x3FDB];
	_ =	sdelay $0x1  }
0x11: {  	s4 =	simm.s32 $_scs_section_size  }
0x12: {  	s5 =	simm.s32 $_size__tile_overlayer_lowered;
	s6 =	simm.s32 $_tile_overlayer_lowered  }
0x13: {  	s23 =	simm.s32 $0x1BFF;
	s22 =	sshll.u32 s6, $0x1;
	s3 =	sadd.s32 s4, s20  }
0x14: {  	s7 =	simm.s32 $0x0;
	s21 =	sshll.u32 s5, $0x1;
	s5 =	sadd.s32 s22, s3  }
0x15: {  	[timem:s7], [sflag:s23] =	dma.local [hbm:s5], s21  }
0x16: {  	_ =	swait.ge [sflag:s23], s21  }
0x17: {  	s4 =	ssub.s32 $0x0, s21;
	[sflag:s23] =	ssyncset.done $0x0  }
0x18: {  	[sflag:s23] =	ssyncadd.s32 s4;
	_ =	sdelay $0x1  }
0x19: {  	s24 =	simm.s32 $0x1B8B  }
0x1a: {  	_ =	swait.ge [sflag:s24], $0x1  }
0x1b: {  	[sflag:s24] =	ssyncset.done $0x0  }
0x1c: {  	s26 =	simm.s32 $0x1B8E;
	s25 =	sld [smem:$0x3FFE];
	[sflag:s24] =	ssyncadd.s32 $0xFFFFFFFF  }
0x1d: {  	s27 =	simm.s32 $execute0_lowered;
	[smem:$0x3FD2] =	sst s26  }
0x1e: {  	s5 =	sshll.u32 s27, $0x1;
	_ =	strace $0x80000049;
	[dreg:$0x1] =	wrdreg $0xFFFFFFFF  }
0x1f: {  	s28 =	simm.s32 $_size_execute0_lowered;
	s3 =	sadd.s32 s3, s5;
	[dreg:$0x0] =	wrdreg $0x0  }
0x20: {  	s5 =	sshll.u32 s28, $0x1;
	[dreg:$0x2] =	wrdreg s3  }
0x21: {  	[dreg:$0x3] =	wrdreg s5  }
0x22: {  	[dreg:$0x4] =	wrdreg $0xC0  }
0x23: {  	_ =	task [dreg:s7], $0x5FFFF  }
0x24: {  	[dreg:$0x1] =	wrdreg $0xFFFFFFFF  }
0x25: {  	[dreg:$0x0] =	wrdreg $0x60  }
0x26: {  	[dreg:$0x2] =	wrdreg s25  }
0x27: {  	[dreg:$0x3] =	wrdreg s2  }
0x28: {  	[dreg:$0x4] =	wrdreg $0x9  }
0x29: {  	_ =	task.clear_ibuf [dreg:s7], $0x5FFFF;
	_ =	strace $0x90000049  }
0x2a: {  	s29 =	simm.s32 $0x9;
	_ =	strace $0x8000004B  }
0x2b: {  	_ =	swait.ge [sflag:s29], $0x1  }
0x2c: {  	[sflag:s29] =	ssyncadd.s32 $0xFFFFFFFF  }
0x2d: {  	_ =	strace $0x9000004B  }
0x2e: {  	_ =	sfence  }
0x2f: {  	s30 =	sld [smem:$0x0];
	_ =	sdelay $0x2  }
0x30: {  	s31 =	sshll.u32 s1, $0xD;
	s1 =	sshrl.u32 s1, $0x2  }
0x31: {  	s3 =	sand.u32 $0x4000, s31;
	s1 =	sadd.s32 s1, s30  }
0x32: {  	s0 =	sor.u32 s3, s0;
	s1 =	sshll.u32 s1, $0x11  }
0x33: {  	s0 =	sor.u32 s1, s0  }
0x34: {  	s0 =	sadd.s32 $0x8F2B, s0  }
0x35: {  	[sflag:s0] =	ssyncadd.remote.s32 $0x1  }
0x36: {  	_ =	sfence.sel $0xFFFF  }
0x37: {  	[dreg:$0x0] =	wrdreg $0xFFFFFFFF;
	(pc) =	sbr.abs _section_cstart, $3  }
0x38: {  	[dreg:$0x1] =	wrdreg $0xFFFFFFFF  }
0x39: {  	_ =	task.clear_ibuf [dreg:s7], $0x2FFFF;
	_ =	strace $0x9FFFFFFF  }
0x3a: {  	(tm) =	ssettm $0x7FFFFFFF  }
0x3b: {  	_ =	shalt  }
tec
execute0_lowered:
.L_overlay_start_1:
0x0: {  	(tag) =	ssettag $0x1  }
0x1: {  	s0 =	srdreg.scid  }
0x2: {  	s5 =	rddreg [dreg:$0x0];
	s1 =	sshll.u32 s0, $0x4  }
0x3: {  	s2 =	rddreg [dreg:$0x1];
	s0 =	stileid.u32;
	s1 =	sand.u32 $0x10, s1  }
0x4: {  	s4 =	simm.s32 $0x1;
	s8 =	simm.s32 $0x2;
	s1 =	sor.u32 s0, s1  }
0x5: {  	s12 =	simm.s32 $0x0;
	s9 =	simm.s32 $0x0;
	s3 =	sshll.u32 s1, $0x7  }
0x6: {  	s11 =	simm.s32 $0x0;
	s5 =	sadd.s32 $0x1B9A00, s5;
	s6 =	ssub.s32 $0x24000, s3  }
.Ltmp0:
0x7: {  	s1 =	rddreg [dreg:$0x2];
	s7 =	sand.u32 $0xF80, s6;
	(pc) =	sbr.rel .LBB1_1-.Ltmp0, $4  }
0x8: {  	_ =	strace $0x8000004A;
	p0 =	sne.s32 s7, $0x0;
	s7 =	simm.s32 $0x1  }
0x9: {  	[sflag:s4] =	ssyncpa.u1 $0x0;
	s6 =	sshrl.u32 s6, $0xC;
	s7 =	simm.s32 @!p0 $0x0  }
0xa: {  	s10 =	smov.u32 s3;
	[sflag:s8] =	ssyncpa.u1 $0x0;
	s6 =	sadd.s32 s7, s6  }
0xb: {  	s8 =	simm.s32 $0x120000;
	p0 =	por $0x0, $0x0;
	s7 =	sadd.s32 $0x1, s6  }
.LBB1_4:
0xc: {  	s18 =	sshll.u32 s9, $0x3  }
0xd: {  	s19 =	sand.u32 $0x7F, s9;
	s20 =	sand.u32 $0xFFFFFC00, s18;
	s18 =	smulhi.u32 $0x38E38E39, s18  }
0xe: {  	v5 =	vld [tilespmem:s14+$0xFFFFFFD0];
	[tilespmem:s16+$0x2040 ss:$0x81] =	vst.msk $0xffff, v3;
	s19 =	sor.u32 s19, s20  }
0xf: {  	v58 =	vld [tilespmem:s14+$0xFFFFFFE0];
	[tilespmem:s16+$0x2850 ss:$0x81] =	vst.msk $0xffff, v4;
	s20 =	smulhi.u32 $0x38E38E39, s19;
	s18 =	sshrl.u32 s18, $0xF  }
0x10: {  	s17 =	sshra.s32 s17, $0x2;
	v59 =	vld [tilespmem:s14+$0xFFFFFFF0];
	[tilespmem:s16+$0x3060 ss:$0x81] =	vst.msk $0xffff, v2;
	p1 =	sgt.s32 s9, $0x23F80;
	s21 =	smul.u32 $0x2AAB, s18  }
0x11: {  	v60 =	vld [tilespmem:s14+$0x0];
	[tilespmem:s16+$0x0 ss:$0x81] =	vst.msk $0xffff, v0;
	s26 =	sshra.s32 s9, $0x1F;
	s15 =	sadd.s32 s17, s15;
	s20 =	sshrl.u32 s20, $0xF  }
0x12: {  	v61 =	vld [tilespmem:s14+$0x10];
	[tilespmem:s15+$0x3870 ss:$0x81] =	vst.msk $0xffff, v1;
	s24 =	smul.u32 $0x24000, s20;
	s25 =	sshrl.u32 s21, $0x14;
	s20 =	smov.u32 s9  }
0x13: {  	v62 =	vld [tilespmem:s14+$0x20];
	[tilespmem:s15+$0x810 ss:$0x81] =	vst.msk $0xffff, v5;
	s21 =	sand.u32 s26, s9;
	s17 =	smul.u32 $0x60, s25;
	s20 =	simm.s32 @!p1 $0x23F80  }
0x14: {  	v63 =	vld [tilespmem:s14+$0xFFFFFFC0];
	[tilespmem:s15+$0x1020 ss:$0x81] =	vst.msk $0xffff, v58;
	s27 =	ssub.s32 s19, s24;
	s28 =	ssub.s32 s20, s21  }
0x15: {  	[tilespmem:s15+$0x1830 ss:$0x81] =	vst.msk $0xffff, v59;
	s17 =	ssub.s32 s18, s17;
	s29 =	sadd.s32 $0xFFFDC080, s28;
	s16 =	ssub.s32 $0x24000, s28  }
0x16: {  	[tilespmem:s15+$0x2040 ss:$0x81] =	vst.msk $0xffff, v60;
	s30 =	sshrl.u32 s27, $0x3;
	s17 =	sand.u32 $0xFFFF, s17;
	s16 =	smul.u32 $0x180, s16  }
0x17: {  	[tilespmem:s15+$0x2850 ss:$0x81] =	vst.msk $0xffff, v61;
	s14 =	sand.u32 $0x7, s27;
	p1 =	sgt.s32 s29, $0x7F;
	s17 =	smul.u32 $0x4800, s17  }
0x18: {  	[tilespmem:s15+$0x3060 ss:$0x81] =	vst.msk $0xffff, v62;
	s18 =	sadd.s32 s2, s30;
	s14 =	sshll.u32 s14, $0x12;
	s16 =	sshrl.u32 s16, $0x2  }
0x19: {  	[tilespmem:s15+$0x0 ss:$0x81] =	vst.msk $0xffff, v63;
	s14 =	sor.u32 $0x400, s14;
	s16 =	simm.s32 @p1 $0x0;
	s31 =	sadd.s32 s17, s18  }
0x1a: {  	[hbm4b:s31+s14] =	stream.strided.scatter [tilespmem:s13], [sflag:$0x2], s16, s8, s14, $0x20;
	[tilespmem:$0x10100] =	vst v63  }
.LBB1_5:
0x1b: {  	p1 =	slt.u32 s11, $0x2  }
0x1c: {  	p2 =	sgt.s32 @!p1 s12, $0x23F80  }
0x1d: {  	s13 =	smov.u32 s12;
	s14 =	sshra.s32 @!p1 s12, $0x1F;
	p2 =	por !p2, p1  }
0x1e: {  	s12 =	sand.u32 @!p1 s14, s12;
	s13 =	simm.s32 @p2 $0x23F80  }
0x1f: {  	s12 =	ssub.s32 @!p1 s13, s12  }
0x20: {  	s13 =	ssub.s32 @!p1 $0x24000, s12  }
0x21: {  	s12 =	sadd.s32 @!p1 $0xFFFDC080, s12;
	s13 =	smul.u32 @!p1 $0x180, s13  }
0x22: {  	p2 =	sgt.s32 @!p1 s12, $0x7F  }
0x23: {  	s14 =	sadd.s32 $0x1000, s10;
	p2 =	por !p2, p1;
	s12 =	sshrl.u32 @!p1 s13, $0x2  }
0x24: {  	s12 =	simm.s32 @!p2 $0x0;
	p2 =	sgt.s32 s14, $0x23FFF  }
0x25: {  	s14 =	smov.u32 @p2 s3;
	p2 =	sne.s32 s11, s7  }
.Ltmp1:
0x26: {  	_ = 	snop;
	(pc) =	sbr.rel @!p2 .LBB1_6-.Ltmp1, $4  }
0x27: {  	s13 =	simm.s32 @!p1 $0x2  }
0x28: {  	p0 =	por !p0, !p0;
	_ =	swait.ge @!p1 [sflag:s13], s12;
	s15 =	ssub.s32 @!p1 $0x0, s12  }
0x29: {  	s12 =	smov.u32 s9;
	s11 =	sadd.s32 $0x1, s11;
	[sflag:s13] =	ssyncset.done @!p1 $0x0  }
0x2a: {  	s9 =	smov.u32 s10;
	s10 =	smov.u32 s14;
	[sflag:s13] =	ssyncadd.s32 @!p1 s15  }
.LBB1_1:
0x2b: {  	p1 =	sge.u32 s11, s6  }
0x2c: {  	s13 =	sand.u32 @!p1 $0x1FFFFFF, s10  }
0x2d: {  	s14 =	smulhi.u32 @!p1 $0xE38E39, s13;
	_ =	sdelay $0x1  }
0x2e: {  	s14 =	sshrl.u32 @!p1 s14, $0x9  }
0x2f: {  	s14 =	smul.u32 @!p1 $0x24000, s14;
	_ =	sdelay $0x1  }
0x30: {  	s15 =	sxor.u32 @!p1 $0xFFFFFFFF, s11;
	s13 =	ssub.s32 @!p1 s13, s14  }
0x31: {  	s31 =	sadd.s32 $0xFFFFFFFF, s11;
	s14 =	sshll.u32 @!p1 s15, $0xE;
	s13 =	sshll.u32 @!p1 s13, $0x4  }
0x32: {  	s15 =	simm.s32 @!p1 $0x0;
	s14 =	sand.u32 @!p1 $0x4000, s14;
	s13 =	sadd.s32 @!p1 s5, s13  }
0x33: {  	[tilespmem:s14], [sflag:$0x1] =	stream.linear.gather @!p1 [hbm4b:s13+s15], $0x4000, $0x38;
	[tilespmem:$0x10100] =	vst v63  }
0x34: {  	p1 =	sge.u32 s31, s6  }
.Ltmp2:
0x35: {  	_ = 	snop;
	(pc) =	sbr.rel @p1 .LBB1_5-.Ltmp2, $1  }
0x36: {  	_ =	sdelay $0x3  }
0x37: {  	s13 =	simm.s32 $0x1  }
0x38: {  	_ =	swait.ge [sflag:s4], $0x4000;
	s13 =	simm.s32 @!p0 $0x0  }
0x39: {  	[sflag:s4] =	ssyncset.done $0x0;
	s14 =	sshll.u32 s13, $0xE  }
0x3a: {  	[sflag:s4] =	ssyncadd.s32 $0xFFFFC000;
	s14 =	sor.u32 $0x40, s14  }
0x3b: {  	s13 =	smul.u32 $0x10200, s13;
	v0 =	vld [tilespmem:s14+$0x30]  }
0x3c: {  	v1 =	vld [tilespmem:s14+$0xFFFFFFD0]  }
0x3d: {  	s13 =	sshrl.u32 s13, $0x2;
	v5 =	vld [tilespmem:s14+$0xFFFFFFE0]  }
0x3e: {  	v6 =	vld [tilespmem:s14+$0xFFFFFFF0];
	s15 =	sor.u32 $0x8000, s13  }
0x3f: {  	s31 =	sand.u32 $0x1, s11;
	v3 =	vld [tilespmem:s14+$0x0];
	s16 =	sadd.s32 $0x0, s15  }
0x40: {  	v4 =	vld [tilespmem:s14+$0x10];
	s13 =	smul.u32 $0x10200, s31;
	[tilespmem:s16+$0x3870 ss:$0x81] =	vst.msk $0xffff, v0  }
0x41: {  	v2 =	vld [tilespmem:s14+$0x20];
	[tilespmem:s16+$0x810 ss:$0x81] =	vst.msk $0xffff, v1  }
0x42: {  	s13 =	sshrl.u32 s13, $0x2;
	v0 =	vld [tilespmem:s14+$0xFFFFFFC0];
	[tilespmem:s16+$0x1020 ss:$0x81] =	vst.msk $0xffff, v5;
	s14 =	sadd.s32 $0x80, s14  }
0x43: {  	s17 =	simm.s32 $0x4;
	s18 =	simm.s32 $0x8;
	s13 =	sor.u32 $0x8000, s13;
	[tilespmem:s16+$0x1830 ss:$0x81] =	vst.msk $0xffff, v6;
	v1 =	vld [tilespmem:s14+$0x30]  }
.LBB1_3:
0x44: {  	p1 =	sne.s32 s18, $0x1FC;
	v5 =	vld [tilespmem:s14+$0xFFFFFFD0];
	[tilespmem:s16+$0x2040 ss:$0x81] =	vst.msk $0xffff, v3  }
0x45: {  	v6 =	vld [tilespmem:s14+$0xFFFFFFE0];
	[tilespmem:s16+$0x2850 ss:$0x81] =	vst.msk $0xffff, v4  }
0x46: {  	s19 =	sshra.s32 s17, $0x2;
	s17 =	smov.u32 s18;
	v7 =	vld [tilespmem:s14+$0xFFFFFFF0];
	[tilespmem:s16+$0x3060 ss:$0x81] =	vst.msk $0xffff, v2  }
.Ltmp3:
0x47: {  	v3 =	vld [tilespmem:s14+$0x0];
	[tilespmem:s16+$0x0 ss:$0x81] =	vst.msk $0xffff, v0;
	s16 =	sadd.s32 s19, s15;
	(pc) =	sbr.rel @p1 .LBB1_3-.Ltmp3, $4  }
0x48: {  	v4 =	vld [tilespmem:s14+$0x10];
	[tilespmem:s16+$0x3870 ss:$0x81] =	vst.msk $0xffff, v1  }
0x49: {  	[tilespmem:s16+$0x810 ss:$0x81] =	vst.msk $0xffff, v5;
	v2 =	vld [tilespmem:s14+$0x20]  }
0x4a: {  	v0 =	vld [tilespmem:s14+$0xFFFFFFC0];
	[tilespmem:s16+$0x1020 ss:$0x81] =	vst.msk $0xffff, v6;
	s14 =	sadd.s32 $0x80, s14  }
0x4b: {  	s18 =	sadd.s32 $0x4, s18;
	v1 =	vld [tilespmem:s14+$0x30];
	[tilespmem:s16+$0x1830 ss:$0x81] =	vst.msk $0xffff, v7  }
.Ltmp4:
0x4c: {  	_ = 	snop;
	(pc) =	sbr.rel .LBB1_4-.Ltmp4, $1  }
0x4d: {  	_ =	sdelay $0x3  }
.LBB1_6:
0x4e: {  	_ =	sfence.sel $0x180000  }
0x4f: {  	s2 =	simm.s32 $0x1;
	[bflag:$0x0] =	sbarrier.arrive $0xFFFF  }
0x50: {  	s31 =	simm.s32 $0x2;
	[sflag:s2] =	ssyncpa.u1 $0x1  }
0x51: {  	[sflag:s31] =	ssyncpa.u1 $0x1  }
0x52: {  	p0 =	sne.s32 s0, $0x0;
	_ =	strace $0x9000004A  }
0x53: {  	s0 =	sadd.s32 @!p0 $0x100000, s1;
	[bflag:$0x2] =	sbarrier.arrive $0xFFFF  }
0x54: {  	[sflag:s0] =	ssyncadd.tile.s32 @!p0 $0x1;
	_ =	shalt  }
.Lfunc_end1:
_tile_overlayer_lowered:
.L_overlay_start_2:
0x55: {  	(tag) =	ssettag $0x2  }
0x56: {  	s0 =	rddreg [dreg:$0x0];
	s2 =	stileid.u32  }
0x57: {  	s1 =	rddreg [dreg:$0x1];
	p0 =	sne.s32 s2, $0x0  }
0x58: {  	s3 =	rddreg [dreg:$0x2];
	[bflag:$0x3] =	sbarrier.arrive $0xFFFF;
	s2 =	simm.s32 @!p0 $0x1C01  }
0x59: {  	[timem:s3], [sflag:s2] =	dma.local @!p0 [hbm:s0], s1  }
0x5a: {  	s0 =	simm.s32 @!p0 $0x1  }
0x5b: {  	_ =	swait.ge @!p0 [sflag:s0], s1  }
0x5c: {  	s1 =	ssub.s32 @!p0 $0x0, s1;
	[sflag:s0] =	ssyncset.done @!p0 $0x0  }
0x5d: {  	[sflag:s0] =	ssyncadd.s32 @!p0 s1  }
0x5e: {  	[bflag:$0x3] =	sbarrier.arrive $0xFFFF  }
0x5f: {  	_ =	shalt  }

// kernel: warp_bilinear.3.cloned.1.call-start
scs
__scs_entry_jumppad:
0x0: {  	(pc) =	sbr.rel $0x88, $3  }
0x1: {  	(tag) =	ssettag $0x0;
	lr =	simm.s32 $0x1  }
0x2: {  	[smem:$0x3F9F] =	sst lr;
	_ =	strace $0xD0000000  }
0x3: {  	_ = 	snop  }
0x4: {  	_ = 	snop  }
0x5: {  	_ = 	snop  }
0x6: {  	_ = 	snop  }
0x7: {  	_ = 	snop  }
__scs_overlays_trampoline_lowered:
0x8: {  	[smem:$0x3FAE] =	sst s0  }
0x9: {  	[smem:$0x3FAF] =	sst s1  }
0xa: {  	[smem:$0x3FB0] =	sst s2  }
0xb: {  	[smem:$0x3FB1] =	sst s3  }
0xc: {  	[smem:$0x3FB2] =	sst s4  }
0xd: {  	[smem:$0x3FB3] =	sst s5  }
0xe: {  	[smem:$0x3FB4] =	sst s6  }
0xf: {  	[smem:$0x3FB5] =	sst s7  }
0x10: {  	[smem:$0x3FB6] =	sst s8  }
0x11: {  	[smem:$0x3FB7] =	sst s9;
	s0 =	simm.s32 @!p0 $0x0  }
0x12: {  	s1 =	sld [smem:$0x3F9D];
	s0 =	simm.s32 @p0 $0x1  }
0x13: {  	[smem:$0x3FB8] =	sst s0;
	s0 =	simm.s32 @!p1 $0x0  }
0x14: {  	s2 =	sld [smem:$0x3F9C];
	s0 =	simm.s32 @p1 $0x1  }
0x15: {  	[smem:$0x3FB9] =	sst s0;
	s0 =	simm.s32 @!p2 $0x0  }
0x16: {  	s3 =	sld [smem:$0x3FDB];
	s0 =	simm.s32 @p2 $0x1  }
0x17: {  	s4 =	simm.s32 $0x1BF5;
	[smem:$0x3FBB] =	sst s0  }
0x18: {  	s0 =	sld [smem:$0x3F9E];
	_ =	swait.ge [sflag:s4], $0x0  }
0x19: {  	s7 =	sld [smem:$0x3F9F]  }
0x1a: {  	s8 =	sadd.s32 $0xFFFFE003, lr  }
0x1b: {  	s9 =	sadd.s32 $0xFFFFFEF7, lr;
	s5 =	simm.s32 $0xFFFFFFFF;
	p2 =	slt.u32 s8, $0xFFFFF086  }
0x1c: {  	p1 =	slt.u32 s9, $0xF7A;
	s5 =	simm.s32 @!p2 $0x0  }
0x1d: {  	s5 =	simm.s32 @p1 $0x1;
	p0 =	seq.s32 s7, s2  }
0x1e: {  	s7 =	smul.u32 @!p0 $0xF7A, s2;
	p2 =	seq.s32 @!p0 s5, $0x0  }
0x1f: {  	s9 =	smul.u32 $0xF7A, s1;
	s8 =	simm.s32 @!p0 $0x1BF5;
	p2 =	por !p2, p0  }
0x20: {  	[sflag:s8] =	ssyncset.s32 @!p0 $0xFFFFF086;
	s6 =	sadd.s32 @!p0 s3, s7;
	s7 =	simm.s32 @!p0 $0x108  }
0x21: {  	s3 =	sadd.s32 s3, s9;
	s6 =	sadd.s32 @!p0 $0x88, s6;
	s7 =	simm.s32 @p2 $0x1082  }
0x22: {  	[simem:s7], [sflag:s8] =	dma.local @!p0 [hbm:s6], $0xF7A  }
0x23: {  	s9 =	sor.u32 $0xD0000000, s2;
	s6 =	simm.s32 $0x108;
	_ =	swait.ge @!p0 [sflag:s8], $0x0  }
0x24: {  	s3 =	sadd.s32 $0x88, s3;
	s6 =	simm.s32 @!p1 $0x1082;
	[sflag:s4] =	ssyncset.s32 $0xFFFFF086  }
0x25: {  	[simem:s6], [sflag:s4] =	dma.local [hbm:s3], $0xF7A  }
0x26: {  	[smem:$0x3F9F] =	sst s1;
	(tag) =	ssettag s2;
	_ =	strace s9  }
0x27: {  	s1 =	sld [smem:$0x3FAF]  }
0x28: {  	s2 =	sld [smem:$0x3FB0]  }
0x29: {  	s4 =	sld [smem:$0x3FB2]  }
0x2a: {  	p0 =	seq.s32 s5, $0x0;
	s5 =	sld [smem:$0x3FB3]  }
0x2b: {  	s6 =	sld [smem:$0x3FB4]  }
0x2c: {  	s7 =	sld [smem:$0x3FB5]  }
0x2d: {  	s3 =	simm.s32 $0x108;
	s8 =	sld [smem:$0x3FB6]  }
0x2e: {  	s3 =	simm.s32 @!p0 $0x1082;
	s9 =	sld [smem:$0x3FB7]  }
0x2f: {  	lr =	sadd.s32 s0, s3;
	s0 =	sld [smem:$0x3FAE]  }
0x30: {  	s3 =	sld [smem:$0x3FB1]  }
0x31: {  	[smem:$0x3FBA] =	sst s10  }
0x32: {  	s10 =	sld [smem:$0x3FB8];
	_ =	sdelay $0x3  }
0x33: {  	p0 =	seq.s32 s10, $0x1;
	s10 =	sld [smem:$0x3FBA];
	_ =	sdelay $0x3  }
0x34: {  	[smem:$0x3FBA] =	sst s10  }
0x35: {  	s10 =	sld [smem:$0x3FB9];
	_ =	sdelay $0x3  }
0x36: {  	p1 =	seq.s32 s10, $0x1;
	s10 =	sld [smem:$0x3FBA];
	_ =	sdelay $0x3  }
0x37: {  	[smem:$0x3FBA] =	sst s10  }
0x38: {  	s10 =	sld [smem:$0x3FBB]  }
0x39: {  	_ = 	snop;
	(pc) =	sbr.ind lr, $3  }
0x3a: {  	_ = 	snop  }
0x3b: {  	_ = 	snop  }
0x3c: {  	p2 =	seq.s32 s10, $0x1;
	s10 =	sld [smem:$0x3FBA]  }
0x3d: {  	_ =	shalt  }
0x3e: {  	_ =	shalt  }
0x3f: {  	_ =	shalt  }
0x40: {  	_ =	shalt  }
0x41: {  	_ =	shalt  }
0x42: {  	_ =	shalt  }
0x43: {  	_ =	shalt  }
0x44: {  	_ =	shalt  }
0x45: {  	_ =	shalt  }
0x46: {  	_ =	shalt  }
0x47: {  	_ =	shalt  }
0x48: {  	_ =	shalt  }
0x49: {  	_ =	shalt  }
0x4a: {  	_ =	shalt  }
0x4b: {  	_ =	shalt  }
0x4c: {  	_ =	shalt  }
0x4d: {  	_ =	shalt  }
0x4e: {  	_ =	shalt  }
0x4f: {  	_ =	shalt  }
0x50: {  	_ =	shalt  }
0x51: {  	_ =	shalt  }
0x52: {  	_ =	shalt  }
0x53: {  	_ =	shalt  }
0x54: {  	_ =	shalt  }
0x55: {  	_ =	shalt  }
0x56: {  	_ =	shalt  }
0x57: {  	_ =	shalt  }
0x58: {  	_ =	shalt  }
0x59: {  	_ =	shalt  }
0x5a: {  	_ =	shalt  }
0x5b: {  	_ =	shalt  }
0x5c: {  	_ =	shalt  }
0x5d: {  	_ =	shalt  }
0x5e: {  	_ =	shalt  }
0x5f: {  	_ =	shalt  }
0x60: {  	_ =	shalt  }
0x61: {  	_ =	shalt  }
0x62: {  	_ =	shalt  }
0x63: {  	_ =	shalt  }
0x64: {  	_ =	shalt  }
0x65: {  	_ =	shalt  }
0x66: {  	_ =	shalt  }
0x67: {  	_ =	shalt  }
0x68: {  	_ =	shalt  }
0x69: {  	_ =	shalt  }
0x6a: {  	_ =	shalt  }
0x6b: {  	_ =	shalt  }
0x6c: {  	_ =	shalt  }
0x6d: {  	_ =	shalt  }
0x6e: {  	_ =	shalt  }
0x6f: {  	_ =	shalt  }
0x70: {  	_ =	shalt  }
0x71: {  	_ =	shalt  }
0x72: {  	_ =	shalt  }
0x73: {  	_ =	shalt  }
0x74: {  	_ =	shalt  }
0x75: {  	_ =	shalt  }
0x76: {  	_ =	shalt  }
0x77: {  	_ =	shalt  }
0x78: {  	_ =	shalt  }
0x79: {  	_ =	shalt  }
0x7a: {  	_ =	shalt  }
0x7b: {  	_ =	shalt  }
0x7c: {  	_ =	shalt  }
0x7d: {  	_ =	shalt  }
0x7e: {  	_ =	shalt  }
0x7f: {  	_ =	shalt  }
0x80: {  	_ =	shalt  }
0x81: {  	_ =	shalt  }
0x82: {  	_ =	shalt  }
0x83: {  	_ =	shalt  }
0x84: {  	_ =	shalt  }
0x85: {  	_ =	shalt  }
0x86: {  	_ =	shalt  }
0x87: {  	_ =	shalt  }
.Lfunc_end0:
.L_simem_size_0:
called_computation.1_lowered:
.L_overlay_start_0:
0x88: {  	s2 =	sld [smem:$0x3FD9]  }
0x89: {  	s3 =	sld [smem:$0x3FFE];
	_ =	sdelay $0x1  }
0x8a: {  	s1 =	srdreg.scid  }
0x8b: {  	s0 =	sand.u32 $0x1, s1  }
0x8c: {  	s17 =	sshll.u32 s0, $0xA;
	s2 =	sadd.s32 s3, s2  }
0x8d: {  	s2 =	sadd.s32 s2, s17  }
0x8e: {  	[smem:$0x3FC6] =	sst s2  }
0x8f: {  	_ = 	snop  }
0x90: {  	s2 =	sld [smem:$0x3FD0];
	(tm) =	ssettm $0x1  }
0x91: {  	s18 =	sld [smem:$0x3FFB];
	_ =	sdelay $0x3  }
0x92: {  	_ =	strace s18  }
0x93: {  	s3 =	sld [smem:$0x3FFC];
	_ =	sdelay $0x3  }
0x94: {  	_ =	strace s3  }
0x95: {  	s3 =	sld [smem:$0x3FFD];
	_ =	sdelay $0x3  }
0x96: {  	_ =	strace s3  }
0x97: {  	_ =	strace $0x8FFFFFFF  }
0x98: {  	s19 =	sld [smem:$0x3FDB];
	_ =	sdelay $0x1  }
0x99: {  	s4 =	simm.s32 $_scs_section_size  }
0x9a: {  	s5 =	simm.s32 $_size__tile_overlayer_lowered;
	s6 =	simm.s32 $_tile_overlayer_lowered  }
0x9b: {  	s22 =	simm.s32 $0x1BFF;
	s21 =	sshll.u32 s6, $0x1;
	s3 =	sadd.s32 s4, s19  }
0x9c: {  	s7 =	simm.s32 $0x0;
	s20 =	sshll.u32 s5, $0x1;
	s5 =	sadd.s32 s21, s3  }
0x9d: {  	[timem:s7], [sflag:s22] =	dma.local [hbm:s5], s20  }
0x9e: {  	_ =	swait.ge [sflag:s22], s20  }
0x9f: {  	s4 =	ssub.s32 $0x0, s20;
	[sflag:s22] =	ssyncset.done $0x0  }
0xa0: {  	[sflag:s22] =	ssyncadd.s32 s4;
	_ =	sdelay $0x1  }
0xa1: {  	s23 =	simm.s32 $0x1B8B  }
0xa2: {  	_ =	swait.ge [sflag:s23], $0x1  }
0xa3: {  	[sflag:s23] =	ssyncset.done $0x0  }
0xa4: {  	s25 =	simm.s32 $0x1B8E;
	s24 =	sld [smem:$0x3FFE];
	[sflag:s23] =	ssyncadd.s32 $0xFFFFFFFF  }
0xa5: {  	s26 =	simm.s32 $execute0_lowered;
	[smem:$0x3FD2] =	sst s25  }
0xa6: {  	s5 =	sshll.u32 s26, $0x1;
	_ =	strace $0x80000046;
	[dreg:$0x1] =	wrdreg $0xFFFFFFFF  }
0xa7: {  	s28 =	simm.s32 $_size_execute0_lowered;
	s3 =	sadd.s32 s3, s5;
	[dreg:$0x0] =	wrdreg $0x0  }
0xa8: {  	s5 =	sshll.u32 s28, $0x1;
	[dreg:$0x2] =	wrdreg s3  }
0xa9: {  	[dreg:$0x3] =	wrdreg s5  }
0xaa: {  	[dreg:$0x4] =	wrdreg $0xC0  }
0xab: {  	_ =	task [dreg:s7], $0x5FFFF  }
0xac: {  	[dreg:$0x1] =	wrdreg $0xFFFFFFFF  }
0xad: {  	[dreg:$0x0] =	wrdreg $0x60  }
0xae: {  	[dreg:$0x2] =	wrdreg s2  }
0xaf: {  	[dreg:$0x3] =	wrdreg s24  }
0xb0: {  	[dreg:$0x4] =	wrdreg $0x9  }
0xb1: {  	_ =	task.clear_ibuf [dreg:s7], $0x5FFFF;
	_ =	strace $0x90000046  }
0xb2: {  	s29 =	simm.s32 $0x9;
	_ =	strace $0x80000048  }
0xb3: {  	_ =	swait.ge [sflag:s29], $0x1  }
0xb4: {  	[sflag:s29] =	ssyncadd.s32 $0xFFFFFFFF  }
0xb5: {  	_ =	strace $0x90000048  }
0xb6: {  	_ =	sfence  }
0xb7: {  	s30 =	sld [smem:$0x0];
	_ =	sdelay $0x2  }
0xb8: {  	s31 =	sshll.u32 s1, $0xD;
	s1 =	sshrl.u32 s1, $0x2  }
0xb9: {  	s3 =	sand.u32 $0x4000, s31;
	s1 =	sadd.s32 s1, s30  }
0xba: {  	s0 =	sor.u32 s3, s0;
	s1 =	sshll.u32 s1, $0x11  }
0xbb: {  	s0 =	sor.u32 s1, s0  }
0xbc: {  	s0 =	sadd.s32 $0x8F2B, s0  }
0xbd: {  	[sflag:s0] =	ssyncadd.remote.s32 $0x1  }
0xbe: {  	_ =	sfence.sel $0xFFFF  }
0xbf: {  	[dreg:$0x0] =	wrdreg $0xFFFFFFFF;
	(pc) =	sbr.abs _section_cstart, $3  }
0xc0: {  	[dreg:$0x1] =	wrdreg $0xFFFFFFFF  }
0xc1: {  	_ =	task.clear_ibuf [dreg:s7], $0x2FFFF;
	_ =	strace $0x9FFFFFFF  }
0xc2: {  	(tm) =	ssettm $0x7FFFFFFF  }
0xc3: {  	_ =	shalt  }
tec
execute0_lowered:
.L_overlay_start_1:
0x0: {  	(tag) =	ssettag $0x1  }
0x1: {  	s1 =	srdreg.scid;
	s0 =	stileid.u32  }
0x2: {  	s5 =	sand.u32 $0x1, s1;
	s30 =	sshll.u32 s0, $0x1  }
0x3: {  	s1 =	sor.u32 s5, s30  }
0x4: {  	s1 =	smul.u32 $0x1200, s1;
	_ =	sdelay $0x1  }
0x5: {  	v0 =	vmov s1;
	s8 =	sor.u32 $0x10, s1  }
0x6: {  	s3 =	rddreg [dreg:$0x0];
	v1 =	vmulhi.u32 $0xAAAAAB, v0;
	v0 =	vmov s8  }
0x7: {  	s6 =	rddreg [dreg:$0x1];
	v0 =	vmulhi.u32 $0xAAAAAAAB, v0  }
0x8: {  	s2 =	rddreg [dreg:$0x2];
	s4 =	simm.s32 $0x0;
	s10 =	simm.s32 $0x1200  }
0x9: {  	s11 =	simm.s32 $0x80;
	s12 =	simm.s32 $0x2400;
	s13 =	simm.s32 $0x2620;
	v3 =	vshrl.u32 v0, $0x8  }
0xa: {  	s14 =	simm.s32 $0x3;
	s15 =	simm.s32 $0x4;
	s16 =	simm.s32 $0x0;
	v2 =	vmul.u32 $0xFFFFFE80, v1;
	v4 =	vmul.u32 $0xFFFFFE80, v3  }
0xb: {  	[smem:$0x7FF] =	sst s4;
	s9 =	ssub.s32 $0x2, s5;
	s7 =	sshrl.u32 s1, $0x3;
	v1 =	vcvt.s32.f32 v1  }
0xc: {  	_ =	strace $0x80000047;
	s31 =	sshrl.u32 s9, $0x1;
	s7 =	sadd.s32 s7, s6;
	v0 =	vlaneseq.u32;
	v2 =	vadd.s32 s1, v2;
	v4 =	vadd.s32 s8, v4  }
0xd: {  	s5 =	sadd.s32 $0x9A00, s6;
	s9 =	ssub.s32 s9, s31;
	s6 =	sadd.s32 $0xA00, s7;
	v3 =	vcvt.s32.f32 v3;
	v2 =	vor.u32 v0, v2;
	v4 =	vor.u32 v0, v4  }
0xe: {  	s7 =	sadd.s32 $0x5200, s7;
	s8 =	smax.u32 s9, $0x1;
	s9 =	simm.s32 $0x5;
	v2 =	vcvt.s32.f32 v2;
	v4 =	vcvt.s32.f32 v4  }
.LBB2_1:
0xf: {  	[tilespmem:s4], [sflag:$0x5] =	stream.linear.gather [hbm4b:s6+s4], $0x1200, $0x38;
	[tilespmem:$0x9E20] =	vst v63  }
0x10: {  	_ =	swait.ge [sflag:s9], $0x1200  }
0x11: {  	[sflag:s9] =	ssyncset.done $0x0  }
0x12: {  	[sflag:s9] =	ssyncadd.s32 $0xFFFFEE00  }
0x13: {  	[tilespmem:s10], [sflag:$0x5] =	stream.linear.gather [hbm4b:s7+s4], $0x1200, $0x38;
	[tilespmem:$0x9E20] =	vst v63  }
0x14: {  	_ =	swait.ge [sflag:s9], $0x1200  }
0x15: {  	[sflag:s9] =	ssyncset.done $0x0  }
0x16: {  	[sflag:s9] =	ssyncadd.s32 $0xFFFFEE00  }
0x17: {  	v5 =	vld [tilespmem:$0x0]  }
0x18: {  	v6 =	vld [tilespmem:$0x1200];
	_ =	sdelay $0x4  }
0x19: {  	v8 =	vld [tilespmem:$0x10];
	v5 =	vadd.f32 v1, v5;
	v6 =	vadd.f32 v2, v6  }
0x1a: {  	v10 =	vld [tilespmem:$0x1210]  }
0x1b: {  	v5 =	vmax.f32 v5, $0.0e+00;
	v6 =	vmax.f32 v6, $0.0e+00  }
0x1c: {  	v5 =	vmin.f32 v5, $3.830000000e+02;
	v6 =	vmin.f32 v6, $3.830000000e+02  }
0x1d: {  	v7 =	vtrunc.f32 v5;
	v9 =	vtrunc.f32 v6  }
0x1e: {  	v8 =	vadd.f32 v3, v8;
	v7 =	vcvt.f32.s32 v7;
	v9 =	vcvt.f32.s32 v9  }
0x1f: {  	v10 =	vadd.f32 v4, v10  }
0x20: {  	v8 =	vmax.f32 v8, $0.0e+00;
	vm0 =	vlt.s32 v7, $0x17E;
	vm13 =	vlt.s32 v9, $0x17E  }
0x21: {  	v10 =	vmax.f32 v10, $0.0e+00;
	v7 =	vnsel vm0, $0x17E, v7;
	v9 =	vnsel vm13, $0x17E, v9  }
0x22: {  	v8 =	vmin.f32 v8, $3.830000000e+02;
	v11 =	vcvt.s32.f32 v7;
	v12 =	vcvt.s32.f32 v9  }
0x23: {  	v10 =	vmin.f32 v10, $3.830000000e+02;
	v52 =	vtrunc.f32 v8;
	v7 =	vmul.u32 $0x180, v7  }
0x24: {  	v53 =	vtrunc.f32 v10;
	v5 =	vsub.f32 v5, v11;
	v6 =	vsub.f32 v6, v12  }
0x25: {  	v7 =	vadd.s32 v9, v7;
	v9 =	vcvt.f32.s32 v52;
	v12 =	vcvt.f32.s32 v53  }
0x26: {  	[tilespmem:$0x2400] =	vst v7;
	v14 =	vadd.s32 $0x1, v7;
	v11 =	vsub.f32 $1.000000000e+00, v5;
	v13 =	vsub.f32 $1.000000000e+00, v6  }
0x27: {  	v54 =	vadd.s32 $0x180, v7;
	v7 =	vadd.s32 $0x181, v7;
	[tilespmem:$0x2420] =	vst v14;
	vm14 =	vlt.s32 v9, $0x17E  }
0x28: {  	[tilespmem:$0x2440] =	vst v54;
	vm15 =	vlt.s32 v12, $0x17E;
	v9 =	vnsel vm14, $0x17E, v9;
	v55 =	vmul.f32 v13, v11  }
0x29: {  	[tilespmem:$0x2460] =	vst v7;
	v12 =	vnsel vm15, $0x17E, v12;
	v7 =	vmul.f32 v6, v11;
	v56 =	vmul.f32 v13, v5  }
0x2a: {  	v57 =	vcvt.s32.f32 v9;
	v58 =	vcvt.s32.f32 v12;
	[tilespmem:$0x2500] =	vst v55  }
0x2b: {  	v5 =	vmul.f32 v6, v5;
	v6 =	vmul.u32 $0x180, v9;
	[tilespmem:$0x2520] =	vst v7  }
0x2c: {  	[tilespmem:$0x2540] =	vst v56;
	v7 =	vsub.f32 v8, v57;
	v59 =	vsub.f32 v10, v58  }
0x2d: {  	[tilespmem:$0x2560] =	vst v5;
	v5 =	vadd.s32 v12, v6  }
0x2e: {  	[tilespmem:$0x2410] =	vst v5;
	v61 =	vadd.s32 $0x1, v5;
	v6 =	vsub.f32 $1.000000000e+00, v7;
	v60 =	vsub.f32 $1.000000000e+00, v59  }
0x2f: {  	v62 =	vadd.s32 $0x180, v5;
	[tilespmem:$0x2430] =	vst v61  }
0x30: {  	v5 =	vadd.s32 $0x181, v5;
	[tilespmem:$0x2450] =	vst v62;
	v63 =	vmul.f32 v60, v6  }
0x31: {  	[tilespmem:$0x2470] =	vst v5;
	v5 =	vmul.f32 v59, v6  }
0x32: {  	v6 =	vmul.f32 v60, v7;
	[tilespmem:$0x2510] =	vst v63  }
0x33: {  	[tilespmem:$0x2530] =	vst v5;
	v5 =	vmul.f32 v59, v7  }
0x34: {  	[tilespmem:$0x2550] =	vst v6  }
0x35: {  	p0 =	por $0x0, $0x0;
	s18 =	simm.s32 $0x0;
	[tilespmem:$0x2570] =	vst v5  }
0x36: {  	[tilespmem:s13], [sflag:$0x1] =	stream.indirect.gather [hbm4b:s3+s11], $0x60, s12, s11, $0xb8;
	[tilespmem:$0x9E20] =	vst v63  }
.LBB2_2:
0x37: {  	p1 =	seq.s32 s18, $0x8F  }
.Ltmp0:
0x38: {  	_ = 	snop;
	(pc) =	sbr.rel @p1 .LBB2_4-.Ltmp0, $2  }
0x39: {  	_ =	sdelay $0x2  }
0x3a: {  	s19 =	sand.u32 $0x1, s18;
	s17 =	sadd.s32 $0x1, s18  }
0x3b: {  	s22 =	sshll.u32 s17, $0x5  }
0x3c: {  	s20 =	sadd.s32 s1, s22  }
0x3d: {  	v5 =	vmov s20  }
0x3e: {  	v5 =	vmulhi.u32 $0x2AAAAAAB, v5;
	_ =	sdelay $0x1  }
0x3f: {  	v5 =	vshrl.u32 v5, $0x6  }
0x40: {  	v7 =	vld [tilespmem:s22+$0x0];
	v6 =	vmul.u32 $0xFFFFFE80, v5  }
0x41: {  	v8 =	vld [tilespmem:s22+$0x1200]  }
0x42: {  	v6 =	vadd.s32 s20, v6  }
0x43: {  	v5 =	vcvt.s32.f32 v5;
	v6 =	vadd.s32 v0, v6  }
0x44: {  	v6 =	vcvt.s32.f32 v6  }
0x45: {  	v5 =	vadd.f32 v5, v7  }
0x46: {  	v6 =	vadd.f32 v6, v8  }
0x47: {  	v5 =	vmax.f32 v5, $0.0e+00  }
0x48: {  	v5 =	vmin.f32 v5, $3.830000000e+02;
	v6 =	vmax.f32 v6, $0.0e+00  }
0x49: {  	v7 =	vtrunc.f32 v5;
	v6 =	vmin.f32 v6, $3.830000000e+02  }
0x4a: {  	v7 =	vcvt.f32.s32 v7;
	v47 =	vtrunc.f32 v6  }
0x4b: {  	v8 =	vcvt.f32.s32 v47  }
0x4c: {  	vm0 =	vlt.s32 v7, $0x17E  }
0x4d: {  	v7 =	vnsel vm0, $0x17E, v7;
	vm1 =	vlt.s32 v8, $0x17E  }
0x4e: {  	v9 =	vcvt.s32.f32 v7;
	v8 =	vnsel vm1, $0x17E, v8  }
0x4f: {  	v7 =	vmul.u32 $0x180, v7;
	v10 =	vcvt.s32.f32 v8  }
0x50: {  	s30 =	sxor.u32 $0x1, s19;
	v5 =	vsub.f32 v5, v9  }
0x51: {  	s21 =	sshll.u32 s30, $0x7;
	v7 =	vadd.s32 v8, v7;
	v6 =	vsub.f32 v6, v10  }
0x52: {  	v48 =	vsub.f32 $1.000000000e+00, v5;
	[tilespmem:s21+$0x2400] =	vst v7;
	v50 =	vadd.s32 $0x1, v7  }
0x53: {  	s23 =	smul.u32 $0x240, s30;
	v51 =	vadd.s32 $0x180, v7;
	v7 =	vadd.s32 $0x181, v7;
	[tilespmem:s21+$0x2420] =	vst v50;
	v49 =	vsub.f32 $1.000000000e+00, v6  }
0x54: {  	s24 =	sor.u32 $0x10, s22;
	[tilespmem:s21+$0x2460] =	vst v7;
	v7 =	vmul.f32 v6, v48  }
0x55: {  	s24 =	sadd.s32 s1, s24;
	s23 =	sshrl.u32 s23, $0x2;
	[tilespmem:s21+$0x2440] =	vst v51;
	v52 =	vmul.f32 v49, v48  }
0x56: {  	v54 =	vmov s24;
	v53 =	vmul.f32 v49, v5;
	[tilespmem:s23+$0x2520] =	vst v7  }
0x57: {  	v5 =	vmul.f32 v6, v5;
	v6 =	vmulhi.u32 $0x2AAAAAAB, v54;
	[tilespmem:s23+$0x2500] =	vst v52  }
0x58: {  	[tilespmem:s23+$0x2540] =	vst v53  }
0x59: {  	[tilespmem:s23+$0x2560] =	vst v5;
	v5 =	vshrl.u32 v6, $0x6  }
0x5a: {  	v6 =	vmul.u32 $0xFFFFFE80, v5;
	v7 =	vld [tilespmem:s22+$0x10]  }
0x5b: {  	v8 =	vld [tilespmem:s22+$0x1210]  }
0x5c: {  	v6 =	vadd.s32 s24, v6  }
0x5d: {  	v5 =	vcvt.s32.f32 v5;
	v6 =	vadd.s32 v0, v6  }
0x5e: {  	v6 =	vcvt.s32.f32 v6  }
0x5f: {  	v5 =	vadd.f32 v5, v7  }
0x60: {  	v6 =	vadd.f32 v6, v8  }
0x61: {  	v5 =	vmax.f32 v5, $0.0e+00  }
0x62: {  	v6 =	vmax.f32 v6, $0.0e+00;
	v5 =	vmin.f32 v5, $3.830000000e+02  }
0x63: {  	v6 =	vmin.f32 v6, $3.830000000e+02;
	v7 =	vtrunc.f32 v5  }
0x64: {  	v55 =	vtrunc.f32 v6;
	v7 =	vcvt.f32.s32 v7  }
0x65: {  	v8 =	vcvt.f32.s32 v55  }
0x66: {  	vm14 =	vlt.s32 v7, $0x17E  }
0x67: {  	vm15 =	vlt.s32 v8, $0x17E;
	v7 =	vnsel vm14, $0x17E, v7  }
0x68: {  	v8 =	vnsel vm15, $0x17E, v8;
	v56 =	vcvt.s32.f32 v7  }
0x69: {  	v7 =	vmul.u32 $0x180, v7;
	v57 =	vcvt.s32.f32 v8  }
0x6a: {  	v5 =	vsub.f32 v5, v56  }
0x6b: {  	v7 =	vadd.s32 v8, v7;
	v6 =	vsub.f32 v6, v57  }
0x6c: {  	[tilespmem:s21+$0x2410] =	vst v7;
	v60 =	vadd.s32 $0x1, v7;
	v58 =	vsub.f32 $1.000000000e+00, v5  }
0x6d: {  	v61 =	vadd.s32 $0x180, v7;
	v7 =	vadd.s32 $0x181, v7;
	[tilespmem:s21+$0x2430] =	vst v60;
	v59 =	vsub.f32 $1.000000000e+00, v6  }
0x6e: {  	[tilespmem:s21+$0x2470] =	vst v7;
	v7 =	vmul.f32 v6, v58  }
0x6f: {  	[tilespmem:s21+$0x2450] =	vst v61;
	v62 =	vmul.f32 v59, v58  }
0x70: {  	s31 =	smul.u32 $0xC000, s30;
	v63 =	vmul.f32 v59, v5;
	[tilespmem:s23+$0x2530] =	vst v7  }
0x71: {  	v5 =	vmul.f32 v6, v5;
	[tilespmem:s23+$0x2510] =	vst v62  }
0x72: {  	s22 =	sshrl.u32 s31, $0x2;
	[tilespmem:s23+$0x2550] =	vst v63  }
0x73: {  	s20 =	sadd.s32 $0x1, s30;
	s22 =	sadd.s32 $0x2620, s22;
	s21 =	sor.u32 $0x2400, s21;
	[tilespmem:s23+$0x2570] =	vst v5  }
0x74: {  	[tilespmem:s22], [sflag:s20] =	stream.indirect.gather [hbm4b:s3+s11], $0x60, s21, s11, $0xb8;
	[tilespmem:$0x9E20] =	vst v63  }
.LBB2_4:
0x75: {  	s22 =	simm.s32 $0x1;
	s20 =	sadd.s32 $0x1, s19  }
0x76: {  	p1 =	slt.u32 s18, $0x2;
	s30 =	smul.u32 $0x240, s19;
	_ =	swait.ge [sflag:s20], $0x3000  }
0x77: {  	s31 =	simm.s32 $0x0;
	s22 =	simm.s32 @!p0 $0x0;
	[sflag:s20] =	ssyncset.done $0x0  }
0x78: {  	s23 =	sadd.s32 @!p1 $0x3, s19;
	s21 =	smul.u32 $0xC000, s22;
	[sflag:s20] =	ssyncadd.s32 $0xFFFFD000  }
0x79: {  	s24 =	simm.s32 $0x20;
	s25 =	sand.u32 $0x18, s31;
	_ =	swait.ge @!p1 [sflag:s23], $0xC00  }
0x7a: {  	s29 =	sshrl.u32 s21, $0x2;
	s21 =	sshrl.u32 s30, $0x2;
	[sflag:s23] =	ssyncset.done @!p1 $0x0  }
0x7b: {  	s20 =	sadd.s32 $0x3E20, s29;
	s21 =	sor.u32 $0x2500, s21;
	[sflag:s23] =	ssyncadd.s32 @!p1 $0xFFFFF400  }
0x7c: {  	s24 =	sand.u32 $0x38, s24;
	s23 =	sand.u32 $0x7, s31;
	s25 =	sadd.s32 s25, s21;
	v6 =	vld [tilespmem:s20+$0xFFFFE800]  }
0x7d: {  	s26 =	simm.s32 $0x40;
	s24 =	sadd.s32 s24, s21;
	s25 =	sadd.s32 s23, s25;
	v9 =	vld [tilespmem:s20+$0xFFFFF400]  }
0x7e: {  	s26 =	sand.u32 $0x58, s26;
	s24 =	sadd.s32 s23, s24;
	v7 =	vld.msk [tilespmem:s25+$0x0 ss:$0x0], $0xffff  }
0x7f: {  	s28 =	simm.s32 $0x60;
	s26 =	sadd.s32 s26, s21;
	v8 =	vld.msk [tilespmem:s24+$0x0 ss:$0x0], $0xffff  }
0x80: {  	s30 =	sand.u32 $0x78, s28;
	s29 =	sadd.s32 s23, s26;
	v10 =	vld [tilespmem:s20+$0x0]  }
0x81: {  	s25 =	sadd.s32 s30, s21;
	v11 =	vld.msk [tilespmem:s29+$0x0 ss:$0x0], $0xffff  }
0x82: {  	v12 =	vld [tilespmem:s20+$0xC00];
	s23 =	sadd.s32 s23, s25  }
0x83: {  	v5 =	vld.msk [tilespmem:s23+$0x0 ss:$0x0], $0xffff  }
0x84: {  	v6 =	vmul.f32 v6, v7;
	v9 =	vmul.f32 v9, v8;
	_ =	sdelay $0x1  }
0x85: {  	v6 =	vadd.f32 v9, v6;
	v9 =	vmul.f32 v10, v11;
	_ =	sdelay $0x1  }
0x86: {  	s22 =	smul.u32 $0x3000, s22;
	v6 =	vadd.f32 v9, v6;
	v9 =	vmul.f32 v12, v5;
	_ =	sdelay $0x1  }
0x87: {  	s22 =	sshrl.u32 s22, $0x2;
	v6 =	vadd.f32 v9, v6  }
0x88: {  	s22 =	sadd.s32 $0x8650, s22  }
0x89: {  	[tilespmem:s22+$0xFFFFFFD0] =	vst v6  }
0x8a: {  	v6 =	vld [tilespmem:s20+$0xFFFFE810]  }
0x8b: {  	v9 =	vld [tilespmem:s20+$0xFFFFF410];
	_ =	sdelay $0x1  }
0x8c: {  	v10 =	vld [tilespmem:s20+$0x10];
	_ =	sdelay $0x1  }
0x8d: {  	v59 =	vld [tilespmem:s20+$0xC10]  }
0x8e: {  	v6 =	vmul.f32 v6, v7;
	v9 =	vmul.f32 v9, v8;
	_ =	sdelay $0x1  }
0x8f: {  	v6 =	vadd.f32 v9, v6;
	v9 =	vmul.f32 v10, v11;
	_ =	sdelay $0x1  }
0x90: {  	v6 =	vadd.f32 v9, v6;
	v9 =	vmul.f32 v59, v5;
	_ =	sdelay $0x1  }
0x91: {  	v6 =	vadd.f32 v9, v6;
	_ =	sdelay $0x1  }
0x92: {  	[tilespmem:s22+$0xFFFFFFE0] =	vst v6  }
0x93: {  	v6 =	vld [tilespmem:s20+$0xFFFFE820]  }
0x94: {  	v9 =	vld [tilespmem:s20+$0xFFFFF420];
	_ =	sdelay $0x1  }
0x95: {  	v10 =	vld [tilespmem:s20+$0x20];
	_ =	sdelay $0x1  }
0x96: {  	v60 =	vld [tilespmem:s20+$0xC20]  }
0x97: {  	v6 =	vmul.f32 v6, v7;
	v9 =	vmul.f32 v9, v8;
	_ =	sdelay $0x1  }
0x98: {  	v6 =	vadd.f32 v9, v6;
	v9 =	vmul.f32 v10, v11;
	_ =	sdelay $0x1  }
0x99: {  	v6 =	vadd.f32 v9, v6;
	v9 =	vmul.f32 v60, v5;
	_ =	sdelay $0x1  }
0x9a: {  	v6 =	vadd.f32 v9, v6;
	_ =	sdelay $0x1  }
0x9b: {  	[tilespmem:s22+$0xFFFFFFF0] =	vst v6  }
0x9c: {  	v6 =	vld [tilespmem:s20+$0xFFFFE830]  }
0x9d: {  	v9 =	vld [tilespmem:s20+$0xFFFFF430];
	_ =	sdelay $0x1  }
0x9e: {  	v10 =	vld [tilespmem:s20+$0x30];
	_ =	sdelay $0x1  }
0x9f: {  	v61 =	vld [tilespmem:s20+$0xC30]  }
0xa0: {  	v6 =	vmul.f32 v6, v7;
	v9 =	vmul.f32 v9, v8;
	_ =	sdelay $0x1  }
0xa1: {  	v6 =	vadd.f32 v9, v6;
	v9 =	vmul.f32 v10, v11;
	_ =	sdelay $0x1  }
0xa2: {  	v6 =	vadd.f32 v9, v6;
	v9 =	vmul.f32 v61, v5;
	_ =	sdelay $0x1  }
0xa3: {  	v6 =	vadd.f32 v9, v6;
	_ =	sdelay $0x1  }
0xa4: {  	[tilespmem:s22+$0x0] =	vst v6  }
0xa5: {  	v6 =	vld [tilespmem:s20+$0xFFFFF440]  }
0xa6: {  	v9 =	vld [tilespmem:s20+$0xFFFFE840];
	_ =	sdelay $0x1  }
0xa7: {  	v10 =	vld [tilespmem:s20+$0x40];
	_ =	sdelay $0x1  }
0xa8: {  	v62 =	vld [tilespmem:s20+$0xC40]  }
0xa9: {  	v6 =	vmul.f32 v6, v8;
	v9 =	vmul.f32 v9, v7;
	_ =	sdelay $0x1  }
0xaa: {  	v10 =	vmul.f32 v10, v11;
	v6 =	vadd.f32 v6, v9;
	_ =	sdelay $0x1  }
0xab: {  	v9 =	vmul.f32 v62, v5;
	v6 =	vadd.f32 v10, v6;
	_ =	sdelay $0x1  }
0xac: {  	v6 =	vadd.f32 v9, v6;
	_ =	sdelay $0x1  }
0xad: {  	[tilespmem:s22+$0x10] =	vst v6  }
0xae: {  	v6 =	vld [tilespmem:s20+$0xFFFFE850]  }
0xaf: {  	v10 =	vld [tilespmem:s20+$0xFFFFF450]  }
0xb0: {  	v63 =	vld [tilespmem:s20+$0x50];
	_ =	sdelay $0x1  }
0xb1: {  	s31 =	smul.u32 $0x3000, s19  }
0xb2: {  	v9 =	vld [tilespmem:s20+$0xC50]  }
0xb3: {  	s23 =	sshrl.u32 s31, $0x2;
	v6 =	vmul.f32 v6, v7;
	v10 =	vmul.f32 v10, v8  }
0xb4: {  	s24 =	simm.s32 $0x1;
	s25 =	smov.u32 s22;
	s23 =	sadd.s32 $0x8620, s23;
	v7 =	vmul.f32 v63, v11  }
.LBB2_5:
0xb5: {  	p1 =	sne.s32 s24, $0x1F;
	v6 =	vadd.f32 v10, v6;
	s20 =	sadd.s32 $0x60, s20;
	s22 =	sadd.s32 $0x60, s22  }
0xb6: {  	s26 =	smov.u32 s24;
	s24 =	sadd.s32 $0x1, s24  }
0xb7: {  	v5 =	vmul.f32 v9, v5;
	v6 =	vadd.f32 v7, v6;
	_ =	sdelay $0x1  }
0xb8: {  	s28 =	sadd.s32 $0x20, s26;
	v5 =	vadd.f32 v5, v6  }
0xb9: {  	s29 =	sand.u32 $0x18, s26;
	s28 =	sand.u32 $0x38, s28  }
0xba: {  	s30 =	sand.u32 $0x7, s26;
	s29 =	sadd.s32 s29, s21;
	s28 =	sadd.s32 s28, s21;
	[tilespmem:s25+$0x20] =	vst v5  }
0xbb: {  	s28 =	sadd.s32 s30, s28;
	s25 =	sadd.s32 s30, s29;
	s29 =	sadd.s32 $0x40, s26;
	v9 =	vld [tilespmem:s20+$0xFFFFE800]  }
0xbc: {  	s29 =	sand.u32 $0x58, s29;
	v6 =	vld.msk [tilespmem:s25+$0x0 ss:$0x0], $0xffff;
	s25 =	smov.u32 s22  }
0xbd: {  	s26 =	sadd.s32 $0x60, s26;
	s29 =	sadd.s32 s29, s21;
	v7 =	vld.msk [tilespmem:s28+$0x0 ss:$0x0], $0xffff  }
0xbe: {  	s26 =	sand.u32 $0x78, s26;
	s28 =	sadd.s32 s30, s29;
	v10 =	vld [tilespmem:s20+$0xFFFFF400]  }
0xbf: {  	s26 =	sadd.s32 s26, s21;
	v8 =	vld.msk [tilespmem:s28+$0x0 ss:$0x0], $0xffff  }
0xc0: {  	s26 =	sadd.s32 s30, s26;
	v11 =	vld [tilespmem:s20+$0x0]  }
0xc1: {  	v5 =	vld.msk [tilespmem:s26+$0x0 ss:$0x0], $0xffff  }
0xc2: {  	v9 =	vmul.f32 v9, v6;
	v12 =	vld [tilespmem:s20+$0xC00]  }
0xc3: {  	v10 =	vmul.f32 v10, v7;
	_ =	sdelay $0x1  }
0xc4: {  	v9 =	vadd.f32 v10, v9;
	v10 =	vmul.f32 v11, v8;
	_ =	sdelay $0x1  }
0xc5: {  	v9 =	vadd.f32 v10, v9;
	v10 =	vmul.f32 v12, v5;
	_ =	sdelay $0x1  }
0xc6: {  	v9 =	vadd.f32 v10, v9;
	_ =	sdelay $0x1  }
0xc7: {  	[tilespmem:s22+$0xFFFFFFD0] =	vst v9  }
0xc8: {  	v9 =	vld [tilespmem:s20+$0xFFFFE810]  }
0xc9: {  	v10 =	vld [tilespmem:s20+$0xFFFFF410];
	_ =	sdelay $0x1  }
0xca: {  	v11 =	vld [tilespmem:s20+$0x10];
	_ =	sdelay $0x1  }
0xcb: {  	v9 =	vmul.f32 v9, v6;
	v12 =	vld [tilespmem:s20+$0xC10]  }
0xcc: {  	v10 =	vmul.f32 v10, v7;
	_ =	sdelay $0x1  }
0xcd: {  	v9 =	vadd.f32 v10, v9;
	v10 =	vmul.f32 v11, v8;
	_ =	sdelay $0x1  }
0xce: {  	v9 =	vadd.f32 v10, v9;
	v10 =	vmul.f32 v12, v5;
	_ =	sdelay $0x1  }
0xcf: {  	v9 =	vadd.f32 v10, v9;
	_ =	sdelay $0x1  }
0xd0: {  	[tilespmem:s22+$0xFFFFFFE0] =	vst v9  }
0xd1: {  	v9 =	vld [tilespmem:s20+$0xFFFFE820]  }
0xd2: {  	v10 =	vld [tilespmem:s20+$0xFFFFF420];
	_ =	sdelay $0x1  }
0xd3: {  	v11 =	vld [tilespmem:s20+$0x20];
	_ =	sdelay $0x1  }
0xd4: {  	v9 =	vmul.f32 v9, v6;
	v12 =	vld [tilespmem:s20+$0xC20]  }
0xd5: {  	v10 =	vmul.f32 v10, v7;
	_ =	sdelay $0x1  }
0xd6: {  	v9 =	vadd.f32 v10, v9;
	v10 =	vmul.f32 v11, v8;
	_ =	sdelay $0x1  }
0xd7: {  	v9 =	vadd.f32 v10, v9;
	v10 =	vmul.f32 v12, v5;
	_ =	sdelay $0x1  }
0xd8: {  	v9 =	vadd.f32 v10, v9;
	_ =	sdelay $0x1  }
0xd9: {  	[tilespmem:s22+$0xFFFFFFF0] =	vst v9  }
0xda: {  	v9 =	vld [tilespmem:s20+$0xFFFFE830]  }
0xdb: {  	v10 =	vld [tilespmem:s20+$0xFFFFF430];
	_ =	sdelay $0x1  }
0xdc: {  	v11 =	vld [tilespmem:s20+$0x30];
	_ =	sdelay $0x1  }
0xdd: {  	v9 =	vmul.f32 v9, v6;
	v12 =	vld [tilespmem:s20+$0xC30]  }
0xde: {  	v10 =	vmul.f32 v10, v7;
	_ =	sdelay $0x1  }
0xdf: {  	v9 =	vadd.f32 v10, v9;
	v10 =	vmul.f32 v11, v8;
	_ =	sdelay $0x1  }
0xe0: {  	v9 =	vadd.f32 v10, v9;
	v10 =	vmul.f32 v12, v5;
	_ =	sdelay $0x1  }
0xe1: {  	v9 =	vadd.f32 v10, v9;
	_ =	sdelay $0x1  }
0xe2: {  	[tilespmem:s22+$0x0] =	vst v9  }
0xe3: {  	v9 =	vld [tilespmem:s20+$0xFFFFF440]  }
0xe4: {  	v10 =	vld [tilespmem:s20+$0xFFFFE840]  }
0xe5: {  	v11 =	vld [tilespmem:s20+$0x40]  }
0xe6: {  	v12 =	vld [tilespmem:s20+$0xC40];
	_ =	sdelay $0x1  }
0xe7: {  	v9 =	vmul.f32 v9, v7  }
0xe8: {  	v10 =	vmul.f32 v10, v6  }
0xe9: {  	v11 =	vmul.f32 v11, v8  }
0xea: {  	v9 =	vadd.f32 v9, v10;
	_ =	sdelay $0x1  }
0xeb: {  	v10 =	vmul.f32 v12, v5;
	v9 =	vadd.f32 v11, v9;
	_ =	sdelay $0x1  }
0xec: {  	v9 =	vadd.f32 v10, v9;
	_ =	sdelay $0x1  }
0xed: {  	[tilespmem:s22+$0x10] =	vst v9  }
0xee: {  	v10 =	vld [tilespmem:s20+$0xFFFFE850]  }
0xef: {  	v11 =	vld [tilespmem:s20+$0xFFFFF450]  }
0xf0: {  	v12 =	vld [tilespmem:s20+$0x50]  }
.Ltmp1:
0xf1: {  	v9 =	vld [tilespmem:s20+$0xC50];
	(pc) =	sbr.rel @p1 .LBB2_5-.Ltmp1, $4  }
0xf2: {  	_ = 	snop  }
0xf3: {  	v6 =	vmul.f32 v10, v6  }
0xf4: {  	v10 =	vmul.f32 v11, v7  }
0xf5: {  	v7 =	vmul.f32 v12, v8  }
0xf6: {  	v6 =	vadd.f32 v10, v6  }
0xf7: {  	s18 =	sshll.u32 s18, $0x5  }
0xf8: {  	v5 =	vmul.f32 v9, v5;
	s18 =	sadd.s32 s1, s18;
	v6 =	vadd.f32 v7, v6  }
0xf9: {  	p1 =	sne.s32 s17, $0x90;
	s18 =	smul.u32 $0xC, s18  }
.Ltmp2:
0xfa: {  	v5 =	vadd.f32 v5, v6;
	(pc) =	sbr.rel @p1 .LBB2_2-.Ltmp2, $4  }
0xfb: {  	_ = 	snop  }
0xfc: {  	s19 =	sadd.s32 $0x3, s19;
	s18 =	sadd.s32 s5, s18;
	[tilespmem:s25+$0x20] =	vst v5  }
0xfd: {  	[hbm4b:s18+s4] =	stream.linear.scatter [tilespmem:s23], [sflag:s19], $0xC00, $0x38;
	[tilespmem:$0x9E20] =	vst v63  }
0xfe: {  	p0 =	por !p0, !p0;
	s18 =	smov.u32 s17  }
0xff: {  	s16 =	sadd.s32 $0x1, s16  }
0x100: {  	_ =	swait.ge [sflag:s14], $0xC00;
	p0 =	sne.s32 s16, s8  }
.Ltmp3:
0x101: {  	[sflag:s14] =	ssyncset.done $0x0;
	(pc) =	sbr.rel @p0 .LBB2_1-.Ltmp3, $4  }
0x102: {  	[sflag:s14] =	ssyncadd.s32 $0xFFFFF400  }
0x103: {  	_ =	swait.ge [sflag:s15], $0xC00  }
0x104: {  	[sflag:s15] =	ssyncset.done $0x0  }
0x105: {  	[sflag:s15] =	ssyncadd.s32 $0xFFFFF400  }
0x106: {  	_ =	sfence.sel $0x180000  }
0x107: {  	[bflag:$0x0] =	sbarrier.arrive $0xFFFF  }
0x108: {  	p0 =	sne.s32 s0, $0x0;
	_ =	strace $0x90000047  }
0x109: {  	s0 =	sadd.s32 @!p0 $0x100000, s2;
	[bflag:$0x2] =	sbarrier.arrive $0xFFFF  }
0x10a: {  	[sflag:s0] =	ssyncadd.tile.s32 @!p0 $0x1;
	_ =	shalt  }
.Lfunc_end2:
_tile_overlayer_lowered:
.L_overlay_start_2:
0x10b: {  	(tag) =	ssettag $0x2  }
0x10c: {  	s0 =	rddreg [dreg:$0x0];
	s2 =	stileid.u32  }
0x10d: {  	s1 =	rddreg [dreg:$0x1];
	p0 =	sne.s32 s2, $0x0  }
0x10e: {  	s3 =	rddreg [dreg:$0x2];
	[bflag:$0x3] =	sbarrier.arrive $0xFFFF;
	s2 =	simm.s32 @!p0 $0x1C05  }
0x10f: {  	[timem:s3], [sflag:s2] =	dma.local @!p0 [hbm:s0], s1  }
0x110: {  	s0 =	simm.s32 @!p0 $0x5  }
0x111: {  	_ =	swait.ge @!p0 [sflag:s0], s1  }
0x112: {  	s1 =	ssub.s32 @!p0 $0x0, s1;
	[sflag:s0] =	ssyncset.done @!p0 $0x0  }
0x113: {  	[sflag:s0] =	ssyncadd.s32 @!p0 s1  }
0x114: {  	[bflag:$0x3] =	sbarrier.arrive $0xFFFF  }
0x115: {  	_ =	shalt  }

</sc_bundles>
